<compile_context>
chip_gen: v7x
topology: tpu7x:2x2x1
jax: 0.10.2.dev20260603
libtpu: 0.0.44.dev20260713+nightly
codegen_flags: <defaults>
</compile_context>

<pallas_src>
import functools

import jax
import jax.numpy as jnp
from jax import lax
from jax.experimental import pallas as pl
from jax.experimental.pallas import tpu as pltpu
from jax.experimental.pallas import tpu_sc as plsc

_VOCAB = 1000
_DIM = 128
_BATCH = 4096
_SEQ = 200
_NCLASS = 3
_REP = 16
_TW = _NCLASS * _REP

_NC, _NS = 2, 16
_NW = _NC * _NS
_ROWS = _BATCH // _NW
_GROUPS = _ROWS // 16


def _table_body(emb_ref, w_ref, b_ref, out_ref):
    j = lax.broadcasted_iota(jnp.int32, (_TW, _NCLASS), 0)
    c = lax.broadcasted_iota(jnp.int32, (_TW, _NCLASS), 1)
    rep = ((j // _REP) == c).astype(jnp.float32)
    wrep = jnp.dot(rep, w_ref[...],
                   preferred_element_type=jnp.float32)
    brep = jnp.dot(rep, b_ref[...].T,
                   preferred_element_type=jnp.float32)
    t = lax.dot_general(emb_ref[...], wrep, (((1,), (1,)), ((), ())),
                        preferred_element_type=jnp.float32,
                        precision=lax.Precision.HIGHEST)
    out_ref[...] = (t + brep.T) * (1.0 / _SEQ)


def _make_table(emb, W, b):
    return pl.pallas_call(
        _table_body,
        out_shape=jax.ShapeDtypeStruct((_VOCAB, _TW), jnp.float32),
    )(emb, W, b.reshape(1, _NCLASS))


def _sc_body(xt_hbm, tp_hbm, o0_hbm, o1_hbm, o2_hbm,
             xv, tpv, o0v, o1v, o2v, sem1, sem2):
    wid = lax.axis_index("s") * _NC + lax.axis_index("c")
    base = wid * _ROWS

    cp1 = pltpu.async_copy(xt_hbm.at[:, pl.ds(base, _ROWS)], xv, sem1)
    cp2 = pltpu.async_copy(tp_hbm, tpv, sem2)
    cp1.wait()
    cp2.wait()

    lane = lax.iota(jnp.int32, 16)
    t1 = tpv.at[pl.ds(_REP, _VOCAB * _TW - _REP)]
    t2 = tpv.at[pl.ds(2 * _REP, _VOCAB * _TW - 2 * _REP)]

    for g in range(_GROUPS):
        def lbody(l, accs):
            a0, a1, a2 = accs
            pos = xv[l, pl.ds(g * 16, 16)] * _TW + lane
            a0 = a0 + plsc.load_gather(tpv, [pos])
            a1 = a1 + plsc.load_gather(t1, [pos])
            a2 = a2 + plsc.load_gather(t2, [pos])
            return (a0, a1, a2)

        z = jnp.zeros((16,), jnp.float32)
        a0, a1, a2 = plsc.parallel_loop(
            0, _SEQ, 1, unroll=4, carry=(z, z, z))(lbody)
        o0v[pl.ds(g * 16, 16)] = a0
        o1v[pl.ds(g * 16, 16)] = a1
        o2v[pl.ds(g * 16, 16)] = a2

    pltpu.sync_copy(o0v, o0_hbm.at[pl.ds(base, _ROWS)])
    pltpu.sync_copy(o1v, o1_hbm.at[pl.ds(base, _ROWS)])
    pltpu.sync_copy(o2v, o2_hbm.at[pl.ds(base, _ROWS)])


@functools.cache
def _sc_gather_reduce():
    col = jax.ShapeDtypeStruct((_BATCH,), jnp.float32)
    return pl.kernel(
        _sc_body,
        out_type=(col, col, col),
        mesh=plsc.VectorSubcoreMesh(core_axis_name="c", subcore_axis_name="s",
                                    num_cores=_NC, num_subcores=_NS),
        compiler_params=pltpu.CompilerParams(needs_layout_passes=False),
        scratch_types=(
            pltpu.VMEM((_SEQ, _ROWS), jnp.int32),
            pltpu.VMEM((_VOCAB * _TW,), jnp.float32),
            pltpu.VMEM((_ROWS,), jnp.float32),
            pltpu.VMEM((_ROWS,), jnp.float32),
            pltpu.VMEM((_ROWS,), jnp.float32),
            pltpu.SemaphoreType.DMA,
            pltpu.SemaphoreType.DMA,
        ),
    )


def kernel(x, emb, W, b):
    tp = _make_table(emb, W, b).reshape(-1)
    xt = jnp.transpose(x.astype(jnp.int32))
    o0, o1, o2 = _sc_gather_reduce()(xt, tp)
    return jnp.stack([o0, o1, o2], axis=1)

# --- scband reference (transcript-rebuilt; emitter-appended) ---
"""Pipeline reference for scband-torch-model-45810121179904 (READ-ONLY COPY).

The authoritative reference and input builder live on the scoring server;
editing this copy changes nothing except your own understanding.
"""

import jax, jax.numpy as jnp
import numpy as np

VOCAB = 1000
DIM = 128
BATCH = 4096
SEQ = 200

def setup_inputs(seed: int = 0) -> dict:
    key = jax.random.key(seed)
    k1, k2, k3, k4 = jax.random.split(key, 4)
    x = jax.random.randint(k1, (BATCH, SEQ), 0, VOCAB, dtype=jnp.int64 if jax.config.read('jax_enable_x64') else jnp.int32)
    emb = jax.random.normal(k2, (VOCAB, DIM), dtype=jnp.float32)
    W = jax.random.normal(k3, (3, DIM), dtype=jnp.float32) * 0.05
    b = jnp.zeros((3,), dtype=jnp.float32)
    return {"x": x, "emb": emb, "W": W, "b": b}

def reference(x, emb, W, b):
    # nn.Embedding lookup -> [B, L, D]
    h = jnp.take(emb, x, axis=0)
    # transpose(1,2) + AvgPool1d(sentence_length) + squeeze == mean over seq dim -> [B, D]
    pooled = jnp.mean(h, axis=1)
    # Linear(vector_dim, 3)
    y_pred = pooled @ W.T + b
    return y_pred

if __name__ == "__main__":
    import jax
    _d = setup_inputs()
    print(jax.jit(kernel)(*tuple(_d.values())))

</pallas_src>

<mosaic_0001>
#map = affine_map<(d0, d1) -> (0, 0)>
#map1 = affine_map<(d0, d1) -> (0)>
module attributes {stable_mosaic.version = 14 : i64} {
  func.func @_sc_body(%arg0: i32, %arg1: i32, %arg2: memref<200x4096xi32, #tpu.memory_space<hbm>>, %arg3: memref<48000xf32, #tpu.memory_space<hbm>>, %arg4: memref<4096xf32, #tpu.memory_space<hbm>>, %arg5: memref<4096xf32, #tpu.memory_space<hbm>>, %arg6: memref<4096xf32, #tpu.memory_space<hbm>>, %arg7: memref<200x128xi32, #tpu.memory_space<vmem>>, %arg8: memref<48000xf32, #tpu.memory_space<vmem>>, %arg9: memref<128xf32, #tpu.memory_space<vmem>>, %arg10: memref<128xf32, #tpu.memory_space<vmem>>, %arg11: memref<128xf32, #tpu.memory_space<vmem>>, %arg12: memref<!tpu.dma_semaphore, #tpu.memory_space<semaphore_mem>>, %arg13: memref<!tpu.dma_semaphore, #tpu.memory_space<semaphore_mem>>) attributes {dimension_semantics = [#tpu.dimension_semantics<core_parallel>, #tpu.dimension_semantics<subcore_parallel>], iteration_bounds = array<i64: 2, 16>, scalar_prefetch = 0 : i64, scratch_operands = 7 : i64, tpu.core_type = #tpu.core_type<sc_vector_subcore>, window_params = [{transform_indices = #map}, {transform_indices = #map1}, {transform_indices = #map1}, {transform_indices = #map1}, {transform_indices = #map1}]} {
    %mul3A = arith.constant 2 : i32
    %mul3A_0 = arith.muli %arg1, %mul3A : i32
    %add3A = arith.addi %mul3A_0, %arg0 : i32
    %mul3A_1 = arith.constant 128 : i32
    %mul3A_2 = arith.muli %add3A, %mul3A_1 : i32
    %dma_start3A = arith.constant 0 : i32
    %dma_start3A_3 = tpu.memref_slice %arg2[%dma_start3A, %mul3A_2] : memref<200x4096xi32, #tpu.memory_space<hbm>> -> memref<200x128xi32, #tpu.memory_space<hbm>>
    %dma_start3A_4 = arith.constant 0 : i32
    %dma_start3A_5 = tpu.memref_slice %arg2[%dma_start3A_4, %mul3A_2] : memref<200x4096xi32, #tpu.memory_space<hbm>> -> memref<200x128xi32, #tpu.memory_space<hbm>>
    tpu.enqueue_dma source(%dma_start3A_5 : memref<200x128xi32, #tpu.memory_space<hbm>>) target(%arg7 : memref<200x128xi32, #tpu.memory_space<vmem>>) target_semaphore(%arg12 : memref<!tpu.dma_semaphore, #tpu.memory_space<semaphore_mem>>)
    tpu.enqueue_dma source(%arg3 : memref<48000xf32, #tpu.memory_space<hbm>>) target(%arg8 : memref<48000xf32, #tpu.memory_space<vmem>>) target_semaphore(%arg13 : memref<!tpu.dma_semaphore, #tpu.memory_space<semaphore_mem>>)
    %dma_wait3A = arith.constant 0 : i32
    %dma_wait3A_6 = tpu.memref_slice %arg2[%dma_wait3A, %mul3A_2] : memref<200x4096xi32, #tpu.memory_space<hbm>> -> memref<200x128xi32, #tpu.memory_space<hbm>>
    %dma_wait3A_7 = arith.constant 0 : i32
    %dma_wait3A_8 = tpu.memref_slice %arg2[%dma_wait3A_7, %mul3A_2] : memref<200x4096xi32, #tpu.memory_space<hbm>> -> memref<200x128xi32, #tpu.memory_space<hbm>>
    tpu.wait_dma2 semaphore(%arg12 : memref<!tpu.dma_semaphore, #tpu.memory_space<semaphore_mem>>) src(%dma_wait3A_8 : memref<200x128xi32, #tpu.memory_space<hbm>>) dst(%arg7 : memref<200x128xi32, #tpu.memory_space<vmem>>)
    tpu.wait_dma2 semaphore(%arg13 : memref<!tpu.dma_semaphore, #tpu.memory_space<semaphore_mem>>) src(%arg3 : memref<48000xf32, #tpu.memory_space<hbm>>) dst(%arg8 : memref<48000xf32, #tpu.memory_space<vmem>>)
    %iota3A = tpu.iota {dimensions = array<i32: 0>} : vector<16xi32>
    %broadcast_in_dim3A = arith.constant 0.000000e+00 : f32
    %broadcast_in_dim3A_9 = vector.broadcast %broadcast_in_dim3A : f32 to vector<16xf32>
    %parallel_loop3A = arith.constant 0 : i32
    %parallel_loop3A_10 = arith.constant 200 : i32
    %parallel_loop3A_11 = arith.constant 1 : i32
    %parallel_loop3A_12:3 = scf.for %parallel_loop3A_102 = %parallel_loop3A to %parallel_loop3A_10 step %parallel_loop3A_11 iter_args(%parallel_loop3A_103 = %broadcast_in_dim3A_9, %parallel_loop3A_104 = %broadcast_in_dim3A_9, %parallel_loop3A_105 = %broadcast_in_dim3A_9) -> (vector<16xf32>, vector<16xf32>, vector<16xf32>)  : i32 {
      %parallel_loop3A_106 = arith.index_cast %parallel_loop3A_102 : i32 to index
      %parallel_loop3A_107 = arith.constant 0 : index
      %parallel_loop3A_108 = tpu.vector_load %arg7[%parallel_loop3A_106, %parallel_loop3A_107] {strides = array<i32>} : memref<200x128xi32, #tpu.memory_space<vmem>>, vector<16xi32>,
      %parallel_loop3A_109 = arith.constant 48 : i32
      %parallel_loop3A_110 = vector.broadcast %parallel_loop3A_109 : i32 to vector<16xi32>
      %parallel_loop3A_111 = arith.muli %parallel_loop3A_108, %parallel_loop3A_110 : vector<16xi32>
      %parallel_loop3A_112 = arith.addi %parallel_loop3A_111, %iota3A : vector<16xi32>
      %parallel_loop3A_113 = tpu.vector_load_idx %arg8[%parallel_loop3A_112] : memref<48000xf32, #tpu.memory_space<vmem>>[vector<16xi32>], vector<16xf32>,
      %parallel_loop3A_114 = arith.addf %parallel_loop3A_103, %parallel_loop3A_113 : vector<16xf32>
      %parallel_loop3A_115 = arith.constant 16 : i32
      %parallel_loop3A_116 = tpu.memref_slice %arg8[%parallel_loop3A_115] : memref<48000xf32, #tpu.memory_space<vmem>> -> memref<47984xf32, #tpu.memory_space<vmem>>
      %parallel_loop3A_117 = tpu.vector_load_idx %parallel_loop3A_116[%parallel_loop3A_112] : memref<47984xf32, #tpu.memory_space<vmem>>[vector<16xi32>], vector<16xf32>,
      %parallel_loop3A_118 = arith.addf %parallel_loop3A_104, %parallel_loop3A_117 : vector<16xf32>
      %parallel_loop3A_119 = arith.constant 32 : i32
      %parallel_loop3A_120 = tpu.memref_slice %arg8[%parallel_loop3A_119] : memref<48000xf32, #tpu.memory_space<vmem>> -> memref<47968xf32, #tpu.memory_space<vmem>>
      %parallel_loop3A_121 = tpu.vector_load_idx %parallel_loop3A_120[%parallel_loop3A_112] : memref<47968xf32, #tpu.memory_space<vmem>>[vector<16xi32>], vector<16xf32>,
      %parallel_loop3A_122 = arith.addf %parallel_loop3A_105, %parallel_loop3A_121 : vector<16xf32>
      scf.yield %parallel_loop3A_114, %parallel_loop3A_118, %parallel_loop3A_122 : vector<16xf32>, vector<16xf32>, vector<16xf32>
    } {sc.loop_unroll_factor = 4 : i64, sc.parallel_access}
    %swap3A = arith.constant 0 : index
    %swap3A_13 = tpu.vector_load %arg9[%swap3A] {strides = array<i32>} : memref<128xf32, #tpu.memory_space<vmem>>, vector<16xf32>,
    tpu.vector_store %arg9[%swap3A], %parallel_loop3A_12#0 {strides = array<i32>} : memref<128xf32, #tpu.memory_space<vmem>>, vector<16xf32>,
    %swap3A_14 = arith.constant 0 : index
    %swap3A_15 = tpu.vector_load %arg10[%swap3A_14] {strides = array<i32>} : memref<128xf32, #tpu.memory_space<vmem>>, vector<16xf32>,
    tpu.vector_store %arg10[%swap3A_14], %parallel_loop3A_12#1 {strides = array<i32>} : memref<128xf32, #tpu.memory_space<vmem>>, vector<16xf32>,
    %swap3A_16 = arith.constant 0 : index
    %swap3A_17 = tpu.vector_load %arg11[%swap3A_16] {strides = array<i32>} : memref<128xf32, #tpu.memory_space<vmem>>, vector<16xf32>,
    tpu.vector_store %arg11[%swap3A_16], %parallel_loop3A_12#2 {strides = array<i32>} : memref<128xf32, #tpu.memory_space<vmem>>, vector<16xf32>,
    %broadcast_in_dim3A_18 = arith.constant 0.000000e+00 : f32
    %broadcast_in_dim3A_19 = vector.broadcast %broadcast_in_dim3A_18 : f32 to vector<16xf32>
    %parallel_loop3A_20 = arith.constant 0 : i32
    %parallel_loop3A_21 = arith.constant 200 : i32
    %parallel_loop3A_22 = arith.constant 1 : i32
    %parallel_loop3A_23:3 = scf.for %parallel_loop3A_102 = %parallel_loop3A_20 to %parallel_loop3A_21 step %parallel_loop3A_22 iter_args(%parallel_loop3A_103 = %broadcast_in_dim3A_19, %parallel_loop3A_104 = %broadcast_in_dim3A_19, %parallel_loop3A_105 = %broadcast_in_dim3A_19) -> (vector<16xf32>, vector<16xf32>, vector<16xf32>)  : i32 {
      %parallel_loop3A_106 = arith.index_cast %parallel_loop3A_102 : i32 to index
      %parallel_loop3A_107 = arith.constant 16 : index
      %parallel_loop3A_108 = tpu.vector_load %arg7[%parallel_loop3A_106, %parallel_loop3A_107] {strides = array<i32>} : memref<200x128xi32, #tpu.memory_space<vmem>>, vector<16xi32>,
      %parallel_loop3A_109 = arith.constant 48 : i32
      %parallel_loop3A_110 = vector.broadcast %parallel_loop3A_109 : i32 to vector<16xi32>
      %parallel_loop3A_111 = arith.muli %parallel_loop3A_108, %parallel_loop3A_110 : vector<16xi32>
      %parallel_loop3A_112 = arith.addi %parallel_loop3A_111, %iota3A : vector<16xi32>
      %parallel_loop3A_113 = tpu.vector_load_idx %arg8[%parallel_loop3A_112] : memref<48000xf32, #tpu.memory_space<vmem>>[vector<16xi32>], vector<16xf32>,
      %parallel_loop3A_114 = arith.addf %parallel_loop3A_103, %parallel_loop3A_113 : vector<16xf32>
      %parallel_loop3A_115 = arith.constant 16 : i32
      %parallel_loop3A_116 = tpu.memref_slice %arg8[%parallel_loop3A_115] : memref<48000xf32, #tpu.memory_space<vmem>> -> memref<47984xf32, #tpu.memory_space<vmem>>
      %parallel_loop3A_117 = tpu.vector_load_idx %parallel_loop3A_116[%parallel_loop3A_112] : memref<47984xf32, #tpu.memory_space<vmem>>[vector<16xi32>], vector<16xf32>,
      %parallel_loop3A_118 = arith.addf %parallel_loop3A_104, %parallel_loop3A_117 : vector<16xf32>
      %parallel_loop3A_119 = arith.constant 32 : i32
      %parallel_loop3A_120 = tpu.memref_slice %arg8[%parallel_loop3A_119] : memref<48000xf32, #tpu.memory_space<vmem>> -> memref<47968xf32, #tpu.memory_space<vmem>>
      %parallel_loop3A_121 = tpu.vector_load_idx %parallel_loop3A_120[%parallel_loop3A_112] : memref<47968xf32, #tpu.memory_space<vmem>>[vector<16xi32>], vector<16xf32>,
      %parallel_loop3A_122 = arith.addf %parallel_loop3A_105, %parallel_loop3A_121 : vector<16xf32>
      scf.yield %parallel_loop3A_114, %parallel_loop3A_118, %parallel_loop3A_122 : vector<16xf32>, vector<16xf32>, vector<16xf32>
    } {sc.loop_unroll_factor = 4 : i64, sc.parallel_access}
    %swap3A_24 = arith.constant 16 : index
    %swap3A_25 = tpu.vector_load %arg9[%swap3A_24] {strides = array<i32>} : memref<128xf32, #tpu.memory_space<vmem>>, vector<16xf32>,
    tpu.vector_store %arg9[%swap3A_24], %parallel_loop3A_23#0 {strides = array<i32>} : memref<128xf32, #tpu.memory_space<vmem>>, vector<16xf32>,
    %swap3A_26 = arith.constant 16 : index
    %swap3A_27 = tpu.vector_load %arg10[%swap3A_26] {strides = array<i32>} : memref<128xf32, #tpu.memory_space<vmem>>, vector<16xf32>,
    tpu.vector_store %arg10[%swap3A_26], %parallel_loop3A_23#1 {strides = array<i32>} : memref<128xf32, #tpu.memory_space<vmem>>, vector<16xf32>,
    %swap3A_28 = arith.constant 16 : index
    %swap3A_29 = tpu.vector_load %arg11[%swap3A_28] {strides = array<i32>} : memref<128xf32, #tpu.memory_space<vmem>>, vector<16xf32>,
    tpu.vector_store %arg11[%swap3A_28], %parallel_loop3A_23#2 {strides = array<i32>} : memref<128xf32, #tpu.memory_space<vmem>>, vector<16xf32>,
    %broadcast_in_dim3A_30 = arith.constant 0.000000e+00 : f32
    %broadcast_in_dim3A_31 = vector.broadcast %broadcast_in_dim3A_30 : f32 to vector<16xf32>
    %parallel_loop3A_32 = arith.constant 0 : i32
    %parallel_loop3A_33 = arith.constant 200 : i32
    %parallel_loop3A_34 = arith.constant 1 : i32
    %parallel_loop3A_35:3 = scf.for %parallel_loop3A_102 = %parallel_loop3A_32 to %parallel_loop3A_33 step %parallel_loop3A_34 iter_args(%parallel_loop3A_103 = %broadcast_in_dim3A_31, %parallel_loop3A_104 = %broadcast_in_dim3A_31, %parallel_loop3A_105 = %broadcast_in_dim3A_31) -> (vector<16xf32>, vector<16xf32>, vector<16xf32>)  : i32 {
      %parallel_loop3A_106 = arith.index_cast %parallel_loop3A_102 : i32 to index
      %parallel_loop3A_107 = arith.constant 32 : index
      %parallel_loop3A_108 = tpu.vector_load %arg7[%parallel_loop3A_106, %parallel_loop3A_107] {strides = array<i32>} : memref<200x128xi32, #tpu.memory_space<vmem>>, vector<16xi32>,
      %parallel_loop3A_109 = arith.constant 48 : i32
      %parallel_loop3A_110 = vector.broadcast %parallel_loop3A_109 : i32 to vector<16xi32>
      %parallel_loop3A_111 = arith.muli %parallel_loop3A_108, %parallel_loop3A_110 : vector<16xi32>
      %parallel_loop3A_112 = arith.addi %parallel_loop3A_111, %iota3A : vector<16xi32>
      %parallel_loop3A_113 = tpu.vector_load_idx %arg8[%parallel_loop3A_112] : memref<48000xf32, #tpu.memory_space<vmem>>[vector<16xi32>], vector<16xf32>,
      %parallel_loop3A_114 = arith.addf %parallel_loop3A_103, %parallel_loop3A_113 : vector<16xf32>
      %parallel_loop3A_115 = arith.constant 16 : i32
      %parallel_loop3A_116 = tpu.memref_slice %arg8[%parallel_loop3A_115] : memref<48000xf32, #tpu.memory_space<vmem>> -> memref<47984xf32, #tpu.memory_space<vmem>>
      %parallel_loop3A_117 = tpu.vector_load_idx %parallel_loop3A_116[%parallel_loop3A_112] : memref<47984xf32, #tpu.memory_space<vmem>>[vector<16xi32>], vector<16xf32>,
      %parallel_loop3A_118 = arith.addf %parallel_loop3A_104, %parallel_loop3A_117 : vector<16xf32>
      %parallel_loop3A_119 = arith.constant 32 : i32
      %parallel_loop3A_120 = tpu.memref_slice %arg8[%parallel_loop3A_119] : memref<48000xf32, #tpu.memory_space<vmem>> -> memref<47968xf32, #tpu.memory_space<vmem>>
      %parallel_loop3A_121 = tpu.vector_load_idx %parallel_loop3A_120[%parallel_loop3A_112] : memref<47968xf32, #tpu.memory_space<vmem>>[vector<16xi32>], vector<16xf32>,
      %parallel_loop3A_122 = arith.addf %parallel_loop3A_105, %parallel_loop3A_121 : vector<16xf32>
      scf.yield %parallel_loop3A_114, %parallel_loop3A_118, %parallel_loop3A_122 : vector<16xf32>, vector<16xf32>, vector<16xf32>
    } {sc.loop_unroll_factor = 4 : i64, sc.parallel_access}
    %swap3A_36 = arith.constant 32 : index
    %swap3A_37 = tpu.vector_load %arg9[%swap3A_36] {strides = array<i32>} : memref<128xf32, #tpu.memory_space<vmem>>, vector<16xf32>,
    tpu.vector_store %arg9[%swap3A_36], %parallel_loop3A_35#0 {strides = array<i32>} : memref<128xf32, #tpu.memory_space<vmem>>, vector<16xf32>,
    %swap3A_38 = arith.constant 32 : index
    %swap3A_39 = tpu.vector_load %arg10[%swap3A_38] {strides = array<i32>} : memref<128xf32, #tpu.memory_space<vmem>>, vector<16xf32>,
    tpu.vector_store %arg10[%swap3A_38], %parallel_loop3A_35#1 {strides = array<i32>} : memref<128xf32, #tpu.memory_space<vmem>>, vector<16xf32>,
    %swap3A_40 = arith.constant 32 : index
    %swap3A_41 = tpu.vector_load %arg11[%swap3A_40] {strides = array<i32>} : memref<128xf32, #tpu.memory_space<vmem>>, vector<16xf32>,
    tpu.vector_store %arg11[%swap3A_40], %parallel_loop3A_35#2 {strides = array<i32>} : memref<128xf32, #tpu.memory_space<vmem>>, vector<16xf32>,
    %broadcast_in_dim3A_42 = arith.constant 0.000000e+00 : f32
    %broadcast_in_dim3A_43 = vector.broadcast %broadcast_in_dim3A_42 : f32 to vector<16xf32>
    %parallel_loop3A_44 = arith.constant 0 : i32
    %parallel_loop3A_45 = arith.constant 200 : i32
    %parallel_loop3A_46 = arith.constant 1 : i32
    %parallel_loop3A_47:3 = scf.for %parallel_loop3A_102 = %parallel_loop3A_44 to %parallel_loop3A_45 step %parallel_loop3A_46 iter_args(%parallel_loop3A_103 = %broadcast_in_dim3A_43, %parallel_loop3A_104 = %broadcast_in_dim3A_43, %parallel_loop3A_105 = %broadcast_in_dim3A_43) -> (vector<16xf32>, vector<16xf32>, vector<16xf32>)  : i32 {
      %parallel_loop3A_106 = arith.index_cast %parallel_loop3A_102 : i32 to index
      %parallel_loop3A_107 = arith.constant 48 : index
      %parallel_loop3A_108 = tpu.vector_load %arg7[%parallel_loop3A_106, %parallel_loop3A_107] {strides = array<i32>} : memref<200x128xi32, #tpu.memory_space<vmem>>, vector<16xi32>,
      %parallel_loop3A_109 = arith.constant 48 : i32
      %parallel_loop3A_110 = vector.broadcast %parallel_loop3A_109 : i32 to vector<16xi32>
      %parallel_loop3A_111 = arith.muli %parallel_loop3A_108, %parallel_loop3A_110 : vector<16xi32>
      %parallel_loop3A_112 = arith.addi %parallel_loop3A_111, %iota3A : vector<16xi32>
      %parallel_loop3A_113 = tpu.vector_load_idx %arg8[%parallel_loop3A_112] : memref<48000xf32, #tpu.memory_space<vmem>>[vector<16xi32>], vector<16xf32>,
      %parallel_loop3A_114 = arith.addf %parallel_loop3A_103, %parallel_loop3A_113 : vector<16xf32>
      %parallel_loop3A_115 = arith.constant 16 : i32
      %parallel_loop3A_116 = tpu.memref_slice %arg8[%parallel_loop3A_115] : memref<48000xf32, #tpu.memory_space<vmem>> -> memref<47984xf32, #tpu.memory_space<vmem>>
      %parallel_loop3A_117 = tpu.vector_load_idx %parallel_loop3A_116[%parallel_loop3A_112] : memref<47984xf32, #tpu.memory_space<vmem>>[vector<16xi32>], vector<16xf32>,
      %parallel_loop3A_118 = arith.addf %parallel_loop3A_104, %parallel_loop3A_117 : vector<16xf32>
      %parallel_loop3A_119 = arith.constant 32 : i32
      %parallel_loop3A_120 = tpu.memref_slice %arg8[%parallel_loop3A_119] : memref<48000xf32, #tpu.memory_space<vmem>> -> memref<47968xf32, #tpu.memory_space<vmem>>
      %parallel_loop3A_121 = tpu.vector_load_idx %parallel_loop3A_120[%parallel_loop3A_112] : memref<47968xf32, #tpu.memory_space<vmem>>[vector<16xi32>], vector<16xf32>,
      %parallel_loop3A_122 = arith.addf %parallel_loop3A_105, %parallel_loop3A_121 : vector<16xf32>
      scf.yield %parallel_loop3A_114, %parallel_loop3A_118, %parallel_loop3A_122 : vector<16xf32>, vector<16xf32>, vector<16xf32>
    } {sc.loop_unroll_factor = 4 : i64, sc.parallel_access}
    %swap3A_48 = arith.constant 48 : index
    %swap3A_49 = tpu.vector_load %arg9[%swap3A_48] {strides = array<i32>} : memref<128xf32, #tpu.memory_space<vmem>>, vector<16xf32>,
    tpu.vector_store %arg9[%swap3A_48], %parallel_loop3A_47#0 {strides = array<i32>} : memref<128xf32, #tpu.memory_space<vmem>>, vector<16xf32>,
    %swap3A_50 = arith.constant 48 : index
    %swap3A_51 = tpu.vector_load %arg10[%swap3A_50] {strides = array<i32>} : memref<128xf32, #tpu.memory_space<vmem>>, vector<16xf32>,
    tpu.vector_store %arg10[%swap3A_50], %parallel_loop3A_47#1 {strides = array<i32>} : memref<128xf32, #tpu.memory_space<vmem>>, vector<16xf32>,
    %swap3A_52 = arith.constant 48 : index
    %swap3A_53 = tpu.vector_load %arg11[%swap3A_52] {strides = array<i32>} : memref<128xf32, #tpu.memory_space<vmem>>, vector<16xf32>,
    tpu.vector_store %arg11[%swap3A_52], %parallel_loop3A_47#2 {strides = array<i32>} : memref<128xf32, #tpu.memory_space<vmem>>, vector<16xf32>,
    %broadcast_in_dim3A_54 = arith.constant 0.000000e+00 : f32
    %broadcast_in_dim3A_55 = vector.broadcast %broadcast_in_dim3A_54 : f32 to vector<16xf32>
    %parallel_loop3A_56 = arith.constant 0 : i32
    %parallel_loop3A_57 = arith.constant 200 : i32
    %parallel_loop3A_58 = arith.constant 1 : i32
    %parallel_loop3A_59:3 = scf.for %parallel_loop3A_102 = %parallel_loop3A_56 to %parallel_loop3A_57 step %parallel_loop3A_58 iter_args(%parallel_loop3A_103 = %broadcast_in_dim3A_55, %parallel_loop3A_104 = %broadcast_in_dim3A_55, %parallel_loop3A_105 = %broadcast_in_dim3A_55) -> (vector<16xf32>, vector<16xf32>, vector<16xf32>)  : i32 {
      %parallel_loop3A_106 = arith.index_cast %parallel_loop3A_102 : i32 to index
      %parallel_loop3A_107 = arith.constant 64 : index
      %parallel_loop3A_108 = tpu.vector_load %arg7[%parallel_loop3A_106, %parallel_loop3A_107] {strides = array<i32>} : memref<200x128xi32, #tpu.memory_space<vmem>>, vector<16xi32>,
      %parallel_loop3A_109 = arith.constant 48 : i32
      %parallel_loop3A_110 = vector.broadcast %parallel_loop3A_109 : i32 to vector<16xi32>
      %parallel_loop3A_111 = arith.muli %parallel_loop3A_108, %parallel_loop3A_110 : vector<16xi32>
      %parallel_loop3A_112 = arith.addi %parallel_loop3A_111, %iota3A : vector<16xi32>
      %parallel_loop3A_113 = tpu.vector_load_idx %arg8[%parallel_loop3A_112] : memref<48000xf32, #tpu.memory_space<vmem>>[vector<16xi32>], vector<16xf32>,
      %parallel_loop3A_114 = arith.addf %parallel_loop3A_103, %parallel_loop3A_113 : vector<16xf32>
      %parallel_loop3A_115 = arith.constant 16 : i32
      %parallel_loop3A_116 = tpu.memref_slice %arg8[%parallel_loop3A_115] : memref<48000xf32, #tpu.memory_space<vmem>> -> memref<47984xf32, #tpu.memory_space<vmem>>
      %parallel_loop3A_117 = tpu.vector_load_idx %parallel_loop3A_116[%parallel_loop3A_112] : memref<47984xf32, #tpu.memory_space<vmem>>[vector<16xi32>], vector<16xf32>,
      %parallel_loop3A_118 = arith.addf %parallel_loop3A_104, %parallel_loop3A_117 : vector<16xf32>
      %parallel_loop3A_119 = arith.constant 32 : i32
      %parallel_loop3A_120 = tpu.memref_slice %arg8[%parallel_loop3A_119] : memref<48000xf32, #tpu.memory_space<vmem>> -> memref<47968xf32, #tpu.memory_space<vmem>>
      %parallel_loop3A_121 = tpu.vector_load_idx %parallel_loop3A_120[%parallel_loop3A_112] : memref<47968xf32, #tpu.memory_space<vmem>>[vector<16xi32>], vector<16xf32>,
      %parallel_loop3A_122 = arith.addf %parallel_loop3A_105, %parallel_loop3A_121 : vector<16xf32>
      scf.yield %parallel_loop3A_114, %parallel_loop3A_118, %parallel_loop3A_122 : vector<16xf32>, vector<16xf32>, vector<16xf32>
    } {sc.loop_unroll_factor = 4 : i64, sc.parallel_access}
    %swap3A_60 = arith.constant 64 : index
    %swap3A_61 = tpu.vector_load %arg9[%swap3A_60] {strides = array<i32>} : memref<128xf32, #tpu.memory_space<vmem>>, vector<16xf32>,
    tpu.vector_store %arg9[%swap3A_60], %parallel_loop3A_59#0 {strides = array<i32>} : memref<128xf32, #tpu.memory_space<vmem>>, vector<16xf32>,
    %swap3A_62 = arith.constant 64 : index
    %swap3A_63 = tpu.vector_load %arg10[%swap3A_62] {strides = array<i32>} : memref<128xf32, #tpu.memory_space<vmem>>, vector<16xf32>,
    tpu.vector_store %arg10[%swap3A_62], %parallel_loop3A_59#1 {strides = array<i32>} : memref<128xf32, #tpu.memory_space<vmem>>, vector<16xf32>,
    %swap3A_64 = arith.constant 64 : index
    %swap3A_65 = tpu.vector_load %arg11[%swap3A_64] {strides = array<i32>} : memref<128xf32, #tpu.memory_space<vmem>>, vector<16xf32>,
    tpu.vector_store %arg11[%swap3A_64], %parallel_loop3A_59#2 {strides = array<i32>} : memref<128xf32, #tpu.memory_space<vmem>>, vector<16xf32>,
    %broadcast_in_dim3A_66 = arith.constant 0.000000e+00 : f32
    %broadcast_in_dim3A_67 = vector.broadcast %broadcast_in_dim3A_66 : f32 to vector<16xf32>
    %parallel_loop3A_68 = arith.constant 0 : i32
    %parallel_loop3A_69 = arith.constant 200 : i32
    %parallel_loop3A_70 = arith.constant 1 : i32
    %parallel_loop3A_71:3 = scf.for %parallel_loop3A_102 = %parallel_loop3A_68 to %parallel_loop3A_69 step %parallel_loop3A_70 iter_args(%parallel_loop3A_103 = %broadcast_in_dim3A_67, %parallel_loop3A_104 = %broadcast_in_dim3A_67, %parallel_loop3A_105 = %broadcast_in_dim3A_67) -> (vector<16xf32>, vector<16xf32>, vector<16xf32>)  : i32 {
      %parallel_loop3A_106 = arith.index_cast %parallel_loop3A_102 : i32 to index
      %parallel_loop3A_107 = arith.constant 80 : index
      %parallel_loop3A_108 = tpu.vector_load %arg7[%parallel_loop3A_106, %parallel_loop3A_107] {strides = array<i32>} : memref<200x128xi32, #tpu.memory_space<vmem>>, vector<16xi32>,
      %parallel_loop3A_109 = arith.constant 48 : i32
      %parallel_loop3A_110 = vector.broadcast %parallel_loop3A_109 : i32 to vector<16xi32>
      %parallel_loop3A_111 = arith.muli %parallel_loop3A_108, %parallel_loop3A_110 : vector<16xi32>
      %parallel_loop3A_112 = arith.addi %parallel_loop3A_111, %iota3A : vector<16xi32>
      %parallel_loop3A_113 = tpu.vector_load_idx %arg8[%parallel_loop3A_112] : memref<48000xf32, #tpu.memory_space<vmem>>[vector<16xi32>], vector<16xf32>,
      %parallel_loop3A_114 = arith.addf %parallel_loop3A_103, %parallel_loop3A_113 : vector<16xf32>
      %parallel_loop3A_115 = arith.constant 16 : i32
      %parallel_loop3A_116 = tpu.memref_slice %arg8[%parallel_loop3A_115] : memref<48000xf32, #tpu.memory_space<vmem>> -> memref<47984xf32, #tpu.memory_space<vmem>>
      %parallel_loop3A_117 = tpu.vector_load_idx %parallel_loop3A_116[%parallel_loop3A_112] : memref<47984xf32, #tpu.memory_space<vmem>>[vector<16xi32>], vector<16xf32>,
      %parallel_loop3A_118 = arith.addf %parallel_loop3A_104, %parallel_loop3A_117 : vector<16xf32>
      %parallel_loop3A_119 = arith.constant 32 : i32
      %parallel_loop3A_120 = tpu.memref_slice %arg8[%parallel_loop3A_119] : memref<48000xf32, #tpu.memory_space<vmem>> -> memref<47968xf32, #tpu.memory_space<vmem>>
      %parallel_loop3A_121 = tpu.vector_load_idx %parallel_loop3A_120[%parallel_loop3A_112] : memref<47968xf32, #tpu.memory_space<vmem>>[vector<16xi32>], vector<16xf32>,
      %parallel_loop3A_122 = arith.addf %parallel_loop3A_105, %parallel_loop3A_121 : vector<16xf32>
      scf.yield %parallel_loop3A_114, %parallel_loop3A_118, %parallel_loop3A_122 : vector<16xf32>, vector<16xf32>, vector<16xf32>
    } {sc.loop_unroll_factor = 4 : i64, sc.parallel_access}
    %swap3A_72 = arith.constant 80 : index
    %swap3A_73 = tpu.vector_load %arg9[%swap3A_72] {strides = array<i32>} : memref<128xf32, #tpu.memory_space<vmem>>, vector<16xf32>,
    tpu.vector_store %arg9[%swap3A_72], %parallel_loop3A_71#0 {strides = array<i32>} : memref<128xf32, #tpu.memory_space<vmem>>, vector<16xf32>,
    %swap3A_74 = arith.constant 80 : index
    %swap3A_75 = tpu.vector_load %arg10[%swap3A_74] {strides = array<i32>} : memref<128xf32, #tpu.memory_space<vmem>>, vector<16xf32>,
    tpu.vector_store %arg10[%swap3A_74], %parallel_loop3A_71#1 {strides = array<i32>} : memref<128xf32, #tpu.memory_space<vmem>>, vector<16xf32>,
    %swap3A_76 = arith.constant 80 : index
    %swap3A_77 = tpu.vector_load %arg11[%swap3A_76] {strides = array<i32>} : memref<128xf32, #tpu.memory_space<vmem>>, vector<16xf32>,
    tpu.vector_store %arg11[%swap3A_76], %parallel_loop3A_71#2 {strides = array<i32>} : memref<128xf32, #tpu.memory_space<vmem>>, vector<16xf32>,
    %broadcast_in_dim3A_78 = arith.constant 0.000000e+00 : f32
    %broadcast_in_dim3A_79 = vector.broadcast %broadcast_in_dim3A_78 : f32 to vector<16xf32>
    %parallel_loop3A_80 = arith.constant 0 : i32
    %parallel_loop3A_81 = arith.constant 200 : i32
    %parallel_loop3A_82 = arith.constant 1 : i32
    %parallel_loop3A_83:3 = scf.for %parallel_loop3A_102 = %parallel_loop3A_80 to %parallel_loop3A_81 step %parallel_loop3A_82 iter_args(%parallel_loop3A_103 = %broadcast_in_dim3A_79, %parallel_loop3A_104 = %broadcast_in_dim3A_79, %parallel_loop3A_105 = %broadcast_in_dim3A_79) -> (vector<16xf32>, vector<16xf32>, vector<16xf32>)  : i32 {
      %parallel_loop3A_106 = arith.index_cast %parallel_loop3A_102 : i32 to index
      %parallel_loop3A_107 = arith.constant 96 : index
      %parallel_loop3A_108 = tpu.vector_load %arg7[%parallel_loop3A_106, %parallel_loop3A_107] {strides = array<i32>} : memref<200x128xi32, #tpu.memory_space<vmem>>, vector<16xi32>,
      %parallel_loop3A_109 = arith.constant 48 : i32
      %parallel_loop3A_110 = vector.broadcast %parallel_loop3A_109 : i32 to vector<16xi32>
      %parallel_loop3A_111 = arith.muli %parallel_loop3A_108, %parallel_loop3A_110 : vector<16xi32>
      %parallel_loop3A_112 = arith.addi %parallel_loop3A_111, %iota3A : vector<16xi32>
      %parallel_loop3A_113 = tpu.vector_load_idx %arg8[%parallel_loop3A_112] : memref<48000xf32, #tpu.memory_space<vmem>>[vector<16xi32>], vector<16xf32>,
      %parallel_loop3A_114 = arith.addf %parallel_loop3A_103, %parallel_loop3A_113 : vector<16xf32>
      %parallel_loop3A_115 = arith.constant 16 : i32
      %parallel_loop3A_116 = tpu.memref_slice %arg8[%parallel_loop3A_115] : memref<48000xf32, #tpu.memory_space<vmem>> -> memref<47984xf32, #tpu.memory_space<vmem>>
      %parallel_loop3A_117 = tpu.vector_load_idx %parallel_loop3A_116[%parallel_loop3A_112] : memref<47984xf32, #tpu.memory_space<vmem>>[vector<16xi32>], vector<16xf32>,
      %parallel_loop3A_118 = arith.addf %parallel_loop3A_104, %parallel_loop3A_117 : vector<16xf32>
      %parallel_loop3A_119 = arith.constant 32 : i32
      %parallel_loop3A_120 = tpu.memref_slice %arg8[%parallel_loop3A_119] : memref<48000xf32, #tpu.memory_space<vmem>> -> memref<47968xf32, #tpu.memory_space<vmem>>
      %parallel_loop3A_121 = tpu.vector_load_idx %parallel_loop3A_120[%parallel_loop3A_112] : memref<47968xf32, #tpu.memory_space<vmem>>[vector<16xi32>], vector<16xf32>,
      %parallel_loop3A_122 = arith.addf %parallel_loop3A_105, %parallel_loop3A_121 : vector<16xf32>
      scf.yield %parallel_loop3A_114, %parallel_loop3A_118, %parallel_loop3A_122 : vector<16xf32>, vector<16xf32>, vector<16xf32>
    } {sc.loop_unroll_factor = 4 : i64, sc.parallel_access}
    %swap3A_84 = arith.constant 96 : index
    %swap3A_85 = tpu.vector_load %arg9[%swap3A_84] {strides = array<i32>} : memref<128xf32, #tpu.memory_space<vmem>>, vector<16xf32>,
    tpu.vector_store %arg9[%swap3A_84], %parallel_loop3A_83#0 {strides = array<i32>} : memref<128xf32, #tpu.memory_space<vmem>>, vector<16xf32>,
    %swap3A_86 = arith.constant 96 : index
    %swap3A_87 = tpu.vector_load %arg10[%swap3A_86] {strides = array<i32>} : memref<128xf32, #tpu.memory_space<vmem>>, vector<16xf32>,
    tpu.vector_store %arg10[%swap3A_86], %parallel_loop3A_83#1 {strides = array<i32>} : memref<128xf32, #tpu.memory_space<vmem>>, vector<16xf32>,
    %swap3A_88 = arith.constant 96 : index
    %swap3A_89 = tpu.vector_load %arg11[%swap3A_88] {strides = array<i32>} : memref<128xf32, #tpu.memory_space<vmem>>, vector<16xf32>,
    tpu.vector_store %arg11[%swap3A_88], %parallel_loop3A_83#2 {strides = array<i32>} : memref<128xf32, #tpu.memory_space<vmem>>, vector<16xf32>,
    %broadcast_in_dim3A_90 = arith.constant 0.000000e+00 : f32
    %broadcast_in_dim3A_91 = vector.broadcast %broadcast_in_dim3A_90 : f32 to vector<16xf32>
    %parallel_loop3A_92 = arith.constant 0 : i32
    %parallel_loop3A_93 = arith.constant 200 : i32
    %parallel_loop3A_94 = arith.constant 1 : i32
    %parallel_loop3A_95:3 = scf.for %parallel_loop3A_102 = %parallel_loop3A_92 to %parallel_loop3A_93 step %parallel_loop3A_94 iter_args(%parallel_loop3A_103 = %broadcast_in_dim3A_91, %parallel_loop3A_104 = %broadcast_in_dim3A_91, %parallel_loop3A_105 = %broadcast_in_dim3A_91) -> (vector<16xf32>, vector<16xf32>, vector<16xf32>)  : i32 {
      %parallel_loop3A_106 = arith.index_cast %parallel_loop3A_102 : i32 to index
      %parallel_loop3A_107 = arith.constant 112 : index
      %parallel_loop3A_108 = tpu.vector_load %arg7[%parallel_loop3A_106, %parallel_loop3A_107] {strides = array<i32>} : memref<200x128xi32, #tpu.memory_space<vmem>>, vector<16xi32>,
      %parallel_loop3A_109 = arith.constant 48 : i32
      %parallel_loop3A_110 = vector.broadcast %parallel_loop3A_109 : i32 to vector<16xi32>
      %parallel_loop3A_111 = arith.muli %parallel_loop3A_108, %parallel_loop3A_110 : vector<16xi32>
      %parallel_loop3A_112 = arith.addi %parallel_loop3A_111, %iota3A : vector<16xi32>
      %parallel_loop3A_113 = tpu.vector_load_idx %arg8[%parallel_loop3A_112] : memref<48000xf32, #tpu.memory_space<vmem>>[vector<16xi32>], vector<16xf32>,
      %parallel_loop3A_114 = arith.addf %parallel_loop3A_103, %parallel_loop3A_113 : vector<16xf32>
      %parallel_loop3A_115 = arith.constant 16 : i32
      %parallel_loop3A_116 = tpu.memref_slice %arg8[%parallel_loop3A_115] : memref<48000xf32, #tpu.memory_space<vmem>> -> memref<47984xf32, #tpu.memory_space<vmem>>
      %parallel_loop3A_117 = tpu.vector_load_idx %parallel_loop3A_116[%parallel_loop3A_112] : memref<47984xf32, #tpu.memory_space<vmem>>[vector<16xi32>], vector<16xf32>,
      %parallel_loop3A_118 = arith.addf %parallel_loop3A_104, %parallel_loop3A_117 : vector<16xf32>
      %parallel_loop3A_119 = arith.constant 32 : i32
      %parallel_loop3A_120 = tpu.memref_slice %arg8[%parallel_loop3A_119] : memref<48000xf32, #tpu.memory_space<vmem>> -> memref<47968xf32, #tpu.memory_space<vmem>>
      %parallel_loop3A_121 = tpu.vector_load_idx %parallel_loop3A_120[%parallel_loop3A_112] : memref<47968xf32, #tpu.memory_space<vmem>>[vector<16xi32>], vector<16xf32>,
      %parallel_loop3A_122 = arith.addf %parallel_loop3A_105, %parallel_loop3A_121 : vector<16xf32>
      scf.yield %parallel_loop3A_114, %parallel_loop3A_118, %parallel_loop3A_122 : vector<16xf32>, vector<16xf32>, vector<16xf32>
    } {sc.loop_unroll_factor = 4 : i64, sc.parallel_access}
    %swap3A_96 = arith.constant 112 : index
    %swap3A_97 = tpu.vector_load %arg9[%swap3A_96] {strides = array<i32>} : memref<128xf32, #tpu.memory_space<vmem>>, vector<16xf32>,
    tpu.vector_store %arg9[%swap3A_96], %parallel_loop3A_95#0 {strides = array<i32>} : memref<128xf32, #tpu.memory_space<vmem>>, vector<16xf32>,
    %swap3A_98 = arith.constant 112 : index
    %swap3A_99 = tpu.vector_load %arg10[%swap3A_98] {strides = array<i32>} : memref<128xf32, #tpu.memory_space<vmem>>, vector<16xf32>,
    tpu.vector_store %arg10[%swap3A_98], %parallel_loop3A_95#1 {strides = array<i32>} : memref<128xf32, #tpu.memory_space<vmem>>, vector<16xf32>,
    %swap3A_100 = arith.constant 112 : index
    %swap3A_101 = tpu.vector_load %arg11[%swap3A_100] {strides = array<i32>} : memref<128xf32, #tpu.memory_space<vmem>>, vector<16xf32>,
    tpu.vector_store %arg11[%swap3A_100], %parallel_loop3A_95#2 {strides = array<i32>} : memref<128xf32, #tpu.memory_space<vmem>>, vector<16xf32>,
    "tpu.region"() ({
      %run_scoped3A = tpu.sem_alloc : memref<!tpu.dma_semaphore, #tpu.memory_space<semaphore_mem>>
      %dma_start3A_102 = tpu.memref_slice %arg4[%mul3A_2] : memref<4096xf32, #tpu.memory_space<hbm>> -> memref<128xf32, #tpu.memory_space<hbm>>
      %dma_start3A_103 = tpu.memref_slice %arg4[%mul3A_2] : memref<4096xf32, #tpu.memory_space<hbm>> -> memref<128xf32, #tpu.memory_space<hbm>>
      tpu.enqueue_dma source(%arg9 : memref<128xf32, #tpu.memory_space<vmem>>) target(%dma_start3A_103 : memref<128xf32, #tpu.memory_space<hbm>>) target_semaphore(%run_scoped3A : memref<!tpu.dma_semaphore, #tpu.memory_space<semaphore_mem>>)
      %dma_wait3A_104 = tpu.memref_slice %arg4[%mul3A_2] : memref<4096xf32, #tpu.memory_space<hbm>> -> memref<128xf32, #tpu.memory_space<hbm>>
      %dma_wait3A_105 = tpu.memref_slice %arg4[%mul3A_2] : memref<4096xf32, #tpu.memory_space<hbm>> -> memref<128xf32, #tpu.memory_space<hbm>>
      tpu.wait_dma2 semaphore(%run_scoped3A : memref<!tpu.dma_semaphore, #tpu.memory_space<semaphore_mem>>) src(%arg9 : memref<128xf32, #tpu.memory_space<vmem>>) dst(%dma_wait3A_105 : memref<128xf32, #tpu.memory_space<hbm>>)
      tpu.yield
    }) : () -> ()
    "tpu.region"() ({
      %run_scoped3A = tpu.sem_alloc : memref<!tpu.dma_semaphore, #tpu.memory_space<semaphore_mem>>
      %dma_start3A_102 = tpu.memref_slice %arg5[%mul3A_2] : memref<4096xf32, #tpu.memory_space<hbm>> -> memref<128xf32, #tpu.memory_space<hbm>>
      %dma_start3A_103 = tpu.memref_slice %arg5[%mul3A_2] : memref<4096xf32, #tpu.memory_space<hbm>> -> memref<128xf32, #tpu.memory_space<hbm>>
      tpu.enqueue_dma source(%arg10 : memref<128xf32, #tpu.memory_space<vmem>>) target(%dma_start3A_103 : memref<128xf32, #tpu.memory_space<hbm>>) target_semaphore(%run_scoped3A : memref<!tpu.dma_semaphore, #tpu.memory_space<semaphore_mem>>)
      %dma_wait3A_104 = tpu.memref_slice %arg5[%mul3A_2] : memref<4096xf32, #tpu.memory_space<hbm>> -> memref<128xf32, #tpu.memory_space<hbm>>
      %dma_wait3A_105 = tpu.memref_slice %arg5[%mul3A_2] : memref<4096xf32, #tpu.memory_space<hbm>> -> memref<128xf32, #tpu.memory_space<hbm>>
      tpu.wait_dma2 semaphore(%run_scoped3A : memref<!tpu.dma_semaphore, #tpu.memory_space<semaphore_mem>>) src(%arg10 : memref<128xf32, #tpu.memory_space<vmem>>) dst(%dma_wait3A_105 : memref<128xf32, #tpu.memory_space<hbm>>)
      tpu.yield
    }) : () -> ()
    "tpu.region"() ({
      %run_scoped3A = tpu.sem_alloc : memref<!tpu.dma_semaphore, #tpu.memory_space<semaphore_mem>>
      %dma_start3A_102 = tpu.memref_slice %arg6[%mul3A_2] : memref<4096xf32, #tpu.memory_space<hbm>> -> memref<128xf32, #tpu.memory_space<hbm>>
      %dma_start3A_103 = tpu.memref_slice %arg6[%mul3A_2] : memref<4096xf32, #tpu.memory_space<hbm>> -> memref<128xf32, #tpu.memory_space<hbm>>
      tpu.enqueue_dma source(%arg11 : memref<128xf32, #tpu.memory_space<vmem>>) target(%dma_start3A_103 : memref<128xf32, #tpu.memory_space<hbm>>) target_semaphore(%run_scoped3A : memref<!tpu.dma_semaphore, #tpu.memory_space<semaphore_mem>>)
      %dma_wait3A_104 = tpu.memref_slice %arg6[%mul3A_2] : memref<4096xf32, #tpu.memory_space<hbm>> -> memref<128xf32, #tpu.memory_space<hbm>>
      %dma_wait3A_105 = tpu.memref_slice %arg6[%mul3A_2] : memref<4096xf32, #tpu.memory_space<hbm>> -> memref<128xf32, #tpu.memory_space<hbm>>
      tpu.wait_dma2 semaphore(%run_scoped3A : memref<!tpu.dma_semaphore, #tpu.memory_space<semaphore_mem>>) src(%arg11 : memref<128xf32, #tpu.memory_space<vmem>>) dst(%dma_wait3A_105 : memref<128xf32, #tpu.memory_space<hbm>>)
      tpu.yield
    }) : () -> ()
    return
  }
}

module attributes {stable_mosaic.version = 14 : i64} {
  func.func @_table_body(%arg0: memref<1000x128xf32, #tpu.memory_space<vmem>>, %arg1: memref<3x128xf32, #tpu.memory_space<vmem>>, %arg2: memref<1x3xf32, #tpu.memory_space<vmem>>, %arg3: memref<1000x48xf32, #tpu.memory_space<vmem>>) attributes {dimension_semantics = [], scalar_prefetch = 0 : i64, scratch_operands = 0 : i64, tpu.core_type = #tpu.core_type<tc>} {
    %iota3A = tpu.iota {dimensions = array<i32: 0>} : vector<48x3xi32>
    %iota3A_0 = tpu.iota {dimensions = array<i32: 1>} : vector<48x3xi32>
    %jit3A = arith.constant 16 : i32
    %div3A = vector.broadcast %jit3A : i32 to vector<48x3xi32>
    %div3A_1 = arith.divsi %iota3A, %div3A : vector<48x3xi32>
    %sign3A = arith.constant 0 : i32
    %sign3A_2 = vector.broadcast %sign3A : i32 to vector<48x3xi32>
    %sign3A_3 = arith.cmpi sgt, %iota3A, %sign3A_2 : vector<48x3xi32>
    %sign3A_4 = arith.extui %sign3A_3 : vector<48x3xi1> to vector<48x3xi32>
    %sign3A_5 = arith.constant 0 : i32
    %sign3A_6 = vector.broadcast %sign3A_5 : i32 to vector<48x3xi32>
    %sign3A_7 = arith.cmpi slt, %iota3A, %sign3A_6 : vector<48x3xi32>
    %sign3A_8 = arith.extui %sign3A_7 : vector<48x3xi1> to vector<48x3xi32>
    %sign3A_9 = arith.subi %sign3A_4, %sign3A_8 : vector<48x3xi32>
    %sign3A_10 = arith.constant 0 : i32
    %sign3A_11 = arith.cmpi sgt, %jit3A, %sign3A_10 : i32
    %sign3A_12 = arith.extui %sign3A_11 : i1 to i32
    %sign3A_13 = arith.constant 0 : i32
    %sign3A_14 = arith.cmpi slt, %jit3A, %sign3A_13 : i32
    %sign3A_15 = arith.extui %sign3A_14 : i1 to i32
    %sign3A_16 = arith.subi %sign3A_12, %sign3A_15 : i32
    %ne3A = vector.broadcast %sign3A_16 : i32 to vector<48x3xi32>
    %ne3A_17 = arith.cmpi ne, %sign3A_9, %ne3A : vector<48x3xi32>
    %rem3A = vector.broadcast %jit3A : i32 to vector<48x3xi32>
    %rem3A_18 = arith.remsi %iota3A, %rem3A : vector<48x3xi32>
    %ne3A_19 = arith.constant 0 : i32
    %ne3A_20 = vector.broadcast %ne3A_19 : i32 to vector<48x3xi32>
    %ne3A_21 = arith.cmpi ne, %rem3A_18, %ne3A_20 : vector<48x3xi32>
    %and3A = arith.andi %ne3A_17, %ne3A_21 : vector<48x3xi1>
    %sub3A = arith.constant 1 : i32
    %sub3A_22 = vector.broadcast %sub3A : i32 to vector<48x3xi32>
    %sub3A_23 = arith.subi %div3A_1, %sub3A_22 : vector<48x3xi32>
    %select_n3A = arith.select %and3A, %sub3A_23, %div3A_1 : vector<48x3xi1>, vector<48x3xi32>
    %eq3A = arith.cmpi eq, %select_n3A, %iota3A_0 : vector<48x3xi32>
    %convert_element_type3A = arith.extui %eq3A : vector<48x3xi1> to vector<48x3xi32>
    %convert_element_type3A_24 = arith.sitofp %convert_element_type3A : vector<48x3xi32> to vector<48x3xf32>
    %get3A = arith.constant 0 : index
    %get3A_25 = arith.constant 0 : index
    %get3A_26 = vector.load %arg1[%get3A, %get3A_25] : memref<3x128xf32, #tpu.memory_space<vmem>>, vector<3x128xf32>
    %dot_general3A = arith.constant dense<0.000000e+00> : vector<48x128xf32>
    %dot_general3A_27 = tpu.matmul %convert_element_type3A_24, %get3A_26, %dot_general3A {dimension_numbers = #tpu.dot_dimension_numbers<[1], [0], [0], [1], [0, 0, 1, 1], [], []>, transpose_lhs_hint = false} : vector<48x3xf32>, vector<3x128xf32>, vector<48x128xf32> -> vector<48x128xf32>
    %get3A_28 = arith.constant 0 : index
    %get3A_29 = arith.constant 0 : index
    %get3A_30 = vector.load %arg2[%get3A_28, %get3A_29] : memref<1x3xf32, #tpu.memory_space<vmem>>, vector<1x3xf32>
    %transpose3A = tpu.transpose %get3A_30, [1, 0] : vector<1x3xf32> -> vector<3x1xf32>
    %dot_general3A_31 = arith.constant dense<0.000000e+00> : vector<48x1xf32>
    %dot_general3A_32 = tpu.matmul %convert_element_type3A_24, %transpose3A, %dot_general3A_31 {dimension_numbers = #tpu.dot_dimension_numbers<[1], [0], [0], [1], [0, 0, 1, 1], [], []>, transpose_lhs_hint = false} : vector<48x3xf32>, vector<3x1xf32>, vector<48x1xf32> -> vector<48x1xf32>
    %get3A_33 = arith.constant 0 : index
    %get3A_34 = arith.constant 0 : index
    %get3A_35 = vector.load %arg0[%get3A_33, %get3A_34] : memref<1000x128xf32, #tpu.memory_space<vmem>>, vector<1000x128xf32>
    %dot_general3A_36 = arith.constant dense<0.000000e+00> : vector<1000x48xf32>
    %dot_general3A_37 = tpu.matmul %get3A_35, %dot_general3A_27, %dot_general3A_36 {dimension_numbers = #tpu.dot_dimension_numbers<[1], [1], [0], [0], [0, 0, 1, 0], [], []>, precision = #tpu.contract_precision<fp32>, transpose_lhs_hint = false} : vector<1000x128xf32>, vector<48x128xf32>, vector<1000x48xf32> -> vector<1000x48xf32>
    %transpose3A_38 = tpu.transpose %dot_general3A_32, [1, 0] : vector<48x1xf32> -> vector<1x48xf32>
    %add3A = vector.broadcast %transpose3A_38 : vector<1x48xf32> to vector<1000x48xf32>
    %add3A_39 = arith.addf %dot_general3A_37, %add3A : vector<1000x48xf32>
    %mul3A = arith.constant 5.000000e-03 : f32
    %mul3A_40 = vector.broadcast %mul3A : f32 to vector<1000x48xf32>
    %mul3A_41 = arith.mulf %add3A_39, %mul3A_40 : vector<1000x48xf32>
    %swap3A = arith.constant 0 : index
    %swap3A_42 = arith.constant 0 : index
    %swap3A_43 = vector.load %arg3[%swap3A, %swap3A_42] : memref<1000x48xf32, #tpu.memory_space<vmem>>, vector<1000x48xf32>
    tpu.vector_store %arg3[%swap3A, %swap3A_42], %mul3A_41 {strides = array<i32>} : memref<1000x48xf32, #tpu.memory_space<vmem>>, vector<1000x48xf32>,
    return
  }
}

</mosaic_0001>

<sc_bundles>
// kernel: kernel.4.cloned.1.call-start
scs
__scs_entry_jumppad:
0x0: {  	(pc) =	sbr.rel $0x88, $3  }
0x1: {  	(tag) =	ssettag $0x0;
	lr =	simm.s32 $0x1  }
0x2: {  	[smem:$0x3F9D] =	sst lr;
	_ =	strace $0xD0000000  }
0x3: {  	_ = 	snop  }
0x4: {  	_ = 	snop  }
0x5: {  	_ = 	snop  }
0x6: {  	_ = 	snop  }
0x7: {  	_ = 	snop  }
__scs_overlays_trampoline_lowered:
0x8: {  	[smem:$0x3FAC] =	sst s0  }
0x9: {  	[smem:$0x3FAD] =	sst s1  }
0xa: {  	[smem:$0x3FAE] =	sst s2  }
0xb: {  	[smem:$0x3FAF] =	sst s3  }
0xc: {  	[smem:$0x3FB0] =	sst s4  }
0xd: {  	[smem:$0x3FB1] =	sst s5  }
0xe: {  	[smem:$0x3FB2] =	sst s6  }
0xf: {  	[smem:$0x3FB3] =	sst s7  }
0x10: {  	[smem:$0x3FB4] =	sst s8  }
0x11: {  	[smem:$0x3FB5] =	sst s9;
	s0 =	simm.s32 @!p0 $0x0  }
0x12: {  	s1 =	sld [smem:$0x3F9B];
	s0 =	simm.s32 @p0 $0x1  }
0x13: {  	[smem:$0x3FB6] =	sst s0;
	s0 =	simm.s32 @!p1 $0x0  }
0x14: {  	s2 =	sld [smem:$0x3F9A];
	s0 =	simm.s32 @p1 $0x1  }
0x15: {  	[smem:$0x3FB7] =	sst s0;
	s0 =	simm.s32 @!p2 $0x0  }
0x16: {  	s3 =	sld [smem:$0x3FDB];
	s0 =	simm.s32 @p2 $0x1  }
0x17: {  	s4 =	simm.s32 $0x1BF5;
	[smem:$0x3FB9] =	sst s0  }
0x18: {  	s0 =	sld [smem:$0x3F9C];
	_ =	swait.ge [sflag:s4], $0x0  }
0x19: {  	s7 =	sld [smem:$0x3F9D]  }
0x1a: {  	s8 =	sadd.s32 $0xFFFFE003, lr  }
0x1b: {  	s9 =	sadd.s32 $0xFFFFFEF7, lr;
	s5 =	simm.s32 $0xFFFFFFFF;
	p2 =	slt.u32 s8, $0xFFFFF086  }
0x1c: {  	p1 =	slt.u32 s9, $0xF7A;
	s5 =	simm.s32 @!p2 $0x0  }
0x1d: {  	s5 =	simm.s32 @p1 $0x1;
	p0 =	seq.s32 s7, s2  }
0x1e: {  	s7 =	smul.u32 @!p0 $0xF7A, s2;
	p2 =	seq.s32 @!p0 s5, $0x0  }
0x1f: {  	s9 =	smul.u32 $0xF7A, s1;
	s8 =	simm.s32 @!p0 $0x1BF5;
	p2 =	por !p2, p0  }
0x20: {  	[sflag:s8] =	ssyncset.s32 @!p0 $0xFFFFF086;
	s6 =	sadd.s32 @!p0 s3, s7;
	s7 =	simm.s32 @!p0 $0x108  }
0x21: {  	s3 =	sadd.s32 s3, s9;
	s6 =	sadd.s32 @!p0 $0x88, s6;
	s7 =	simm.s32 @p2 $0x1082  }
0x22: {  	[simem:s7], [sflag:s8] =	dma.local @!p0 [hbm:s6], $0xF7A  }
0x23: {  	s9 =	sor.u32 $0xD0000000, s2;
	s6 =	simm.s32 $0x108;
	_ =	swait.ge @!p0 [sflag:s8], $0x0  }
0x24: {  	s3 =	sadd.s32 $0x88, s3;
	s6 =	simm.s32 @!p1 $0x1082;
	[sflag:s4] =	ssyncset.s32 $0xFFFFF086  }
0x25: {  	[simem:s6], [sflag:s4] =	dma.local [hbm:s3], $0xF7A  }
0x26: {  	[smem:$0x3F9D] =	sst s1;
	(tag) =	ssettag s2;
	_ =	strace s9  }
0x27: {  	s1 =	sld [smem:$0x3FAD]  }
0x28: {  	s2 =	sld [smem:$0x3FAE]  }
0x29: {  	s4 =	sld [smem:$0x3FB0]  }
0x2a: {  	p0 =	seq.s32 s5, $0x0;
	s5 =	sld [smem:$0x3FB1]  }
0x2b: {  	s6 =	sld [smem:$0x3FB2]  }
0x2c: {  	s7 =	sld [smem:$0x3FB3]  }
0x2d: {  	s3 =	simm.s32 $0x108;
	s8 =	sld [smem:$0x3FB4]  }
0x2e: {  	s3 =	simm.s32 @!p0 $0x1082;
	s9 =	sld [smem:$0x3FB5]  }
0x2f: {  	lr =	sadd.s32 s0, s3;
	s0 =	sld [smem:$0x3FAC]  }
0x30: {  	s3 =	sld [smem:$0x3FAF]  }
0x31: {  	[smem:$0x3FB8] =	sst s10  }
0x32: {  	s10 =	sld [smem:$0x3FB6];
	_ =	sdelay $0x3  }
0x33: {  	p0 =	seq.s32 s10, $0x1;
	s10 =	sld [smem:$0x3FB8];
	_ =	sdelay $0x3  }
0x34: {  	[smem:$0x3FB8] =	sst s10  }
0x35: {  	s10 =	sld [smem:$0x3FB7];
	_ =	sdelay $0x3  }
0x36: {  	p1 =	seq.s32 s10, $0x1;
	s10 =	sld [smem:$0x3FB8];
	_ =	sdelay $0x3  }
0x37: {  	[smem:$0x3FB8] =	sst s10  }
0x38: {  	s10 =	sld [smem:$0x3FB9]  }
0x39: {  	_ = 	snop;
	(pc) =	sbr.ind lr, $3  }
0x3a: {  	_ = 	snop  }
0x3b: {  	_ = 	snop  }
0x3c: {  	p2 =	seq.s32 s10, $0x1;
	s10 =	sld [smem:$0x3FB8]  }
0x3d: {  	_ =	shalt  }
0x3e: {  	_ =	shalt  }
0x3f: {  	_ =	shalt  }
0x40: {  	_ =	shalt  }
0x41: {  	_ =	shalt  }
0x42: {  	_ =	shalt  }
0x43: {  	_ =	shalt  }
0x44: {  	_ =	shalt  }
0x45: {  	_ =	shalt  }
0x46: {  	_ =	shalt  }
0x47: {  	_ =	shalt  }
0x48: {  	_ =	shalt  }
0x49: {  	_ =	shalt  }
0x4a: {  	_ =	shalt  }
0x4b: {  	_ =	shalt  }
0x4c: {  	_ =	shalt  }
0x4d: {  	_ =	shalt  }
0x4e: {  	_ =	shalt  }
0x4f: {  	_ =	shalt  }
0x50: {  	_ =	shalt  }
0x51: {  	_ =	shalt  }
0x52: {  	_ =	shalt  }
0x53: {  	_ =	shalt  }
0x54: {  	_ =	shalt  }
0x55: {  	_ =	shalt  }
0x56: {  	_ =	shalt  }
0x57: {  	_ =	shalt  }
0x58: {  	_ =	shalt  }
0x59: {  	_ =	shalt  }
0x5a: {  	_ =	shalt  }
0x5b: {  	_ =	shalt  }
0x5c: {  	_ =	shalt  }
0x5d: {  	_ =	shalt  }
0x5e: {  	_ =	shalt  }
0x5f: {  	_ =	shalt  }
0x60: {  	_ =	shalt  }
0x61: {  	_ =	shalt  }
0x62: {  	_ =	shalt  }
0x63: {  	_ =	shalt  }
0x64: {  	_ =	shalt  }
0x65: {  	_ =	shalt  }
0x66: {  	_ =	shalt  }
0x67: {  	_ =	shalt  }
0x68: {  	_ =	shalt  }
0x69: {  	_ =	shalt  }
0x6a: {  	_ =	shalt  }
0x6b: {  	_ =	shalt  }
0x6c: {  	_ =	shalt  }
0x6d: {  	_ =	shalt  }
0x6e: {  	_ =	shalt  }
0x6f: {  	_ =	shalt  }
0x70: {  	_ =	shalt  }
0x71: {  	_ =	shalt  }
0x72: {  	_ =	shalt  }
0x73: {  	_ =	shalt  }
0x74: {  	_ =	shalt  }
0x75: {  	_ =	shalt  }
0x76: {  	_ =	shalt  }
0x77: {  	_ =	shalt  }
0x78: {  	_ =	shalt  }
0x79: {  	_ =	shalt  }
0x7a: {  	_ =	shalt  }
0x7b: {  	_ =	shalt  }
0x7c: {  	_ =	shalt  }
0x7d: {  	_ =	shalt  }
0x7e: {  	_ =	shalt  }
0x7f: {  	_ =	shalt  }
0x80: {  	_ =	shalt  }
0x81: {  	_ =	shalt  }
0x82: {  	_ =	shalt  }
0x83: {  	_ =	shalt  }
0x84: {  	_ =	shalt  }
0x85: {  	_ =	shalt  }
0x86: {  	_ =	shalt  }
0x87: {  	_ =	shalt  }
.Lfunc_end0:
.L_simem_size_0:
called_computation_lowered:
.L_overlay_start_0:
0x88: {  	s2 =	sld [smem:$0x3FD9]  }
0x89: {  	s3 =	sld [smem:$0x3FFE];
	_ =	sdelay $0x1  }
0x8a: {  	s1 =	srdreg.scid  }
0x8b: {  	s0 =	sand.u32 $0x1, s1  }
0x8c: {  	s17 =	sshll.u32 s0, $0xA;
	s2 =	sadd.s32 s3, s2  }
0x8d: {  	s2 =	sadd.s32 s2, s17  }
0x8e: {  	[smem:$0x3FC4] =	sst s2  }
0x8f: {  	_ = 	snop  }
0x90: {  	s2 =	sld [smem:$0x3FC9];
	(tm) =	ssettm $0x1  }
0x91: {  	s18 =	sld [smem:$0x3FFB];
	_ =	sdelay $0x3  }
0x92: {  	_ =	strace s18  }
0x93: {  	s3 =	sld [smem:$0x3FFC];
	_ =	sdelay $0x3  }
0x94: {  	_ =	strace s3  }
0x95: {  	s3 =	sld [smem:$0x3FFD];
	_ =	sdelay $0x3  }
0x96: {  	_ =	strace s3  }
0x97: {  	_ =	strace $0x8FFFFFFF  }
0x98: {  	s19 =	sld [smem:$0x3FDB];
	_ =	sdelay $0x1  }
0x99: {  	s4 =	simm.s32 $_scs_section_size  }
0x9a: {  	s5 =	simm.s32 $_size__tile_overlayer_lowered;
	s6 =	simm.s32 $_tile_overlayer_lowered  }
0x9b: {  	s22 =	simm.s32 $0x1BFF;
	s21 =	sshll.u32 s6, $0x1;
	s3 =	sadd.s32 s4, s19  }
0x9c: {  	s7 =	simm.s32 $0x0;
	s20 =	sshll.u32 s5, $0x1;
	s5 =	sadd.s32 s21, s3  }
0x9d: {  	[timem:s7], [sflag:s22] =	dma.local [hbm:s5], s20  }
0x9e: {  	_ =	swait.ge [sflag:s22], s20  }
0x9f: {  	s4 =	ssub.s32 $0x0, s20;
	[sflag:s22] =	ssyncset.done $0x0  }
0xa0: {  	[sflag:s22] =	ssyncadd.s32 s4;
	_ =	sdelay $0x1  }
0xa1: {  	s23 =	simm.s32 $0x1B8B  }
0xa2: {  	_ =	swait.ge [sflag:s23], $0x1  }
0xa3: {  	[sflag:s23] =	ssyncset.done $0x0  }
0xa4: {  	s25 =	simm.s32 $0x1B8E;
	s24 =	sld [smem:$0x3FFE];
	[sflag:s23] =	ssyncadd.s32 $0xFFFFFFFF  }
0xa5: {  	s26 =	simm.s32 $execute0_lowered;
	[smem:$0x3FD2] =	sst s25  }
0xa6: {  	s5 =	sshll.u32 s26, $0x1;
	_ =	strace $0x80000046;
	[dreg:$0x1] =	wrdreg $0xFFFFFFFF  }
0xa7: {  	s28 =	simm.s32 $_size_execute0_lowered;
	s3 =	sadd.s32 s3, s5;
	[dreg:$0x0] =	wrdreg $0x0  }
0xa8: {  	s5 =	sshll.u32 s28, $0x1;
	[dreg:$0x2] =	wrdreg s3  }
0xa9: {  	[dreg:$0x3] =	wrdreg s5  }
0xaa: {  	[dreg:$0x4] =	wrdreg $0xC0  }
0xab: {  	_ =	task [dreg:s7], $0x5FFFF  }
0xac: {  	[dreg:$0x1] =	wrdreg $0xFFFFFFFF  }
0xad: {  	[dreg:$0x0] =	wrdreg $0x60  }
0xae: {  	[dreg:$0x2] =	wrdreg s2  }
0xaf: {  	[dreg:$0x3] =	wrdreg s24  }
0xb0: {  	[dreg:$0x4] =	wrdreg $0x9  }
0xb1: {  	_ =	task.clear_ibuf [dreg:s7], $0x5FFFF;
	_ =	strace $0x90000046  }
0xb2: {  	s29 =	simm.s32 $0x9;
	_ =	strace $0x80000048  }
0xb3: {  	_ =	swait.ge [sflag:s29], $0x1  }
0xb4: {  	[sflag:s29] =	ssyncadd.s32 $0xFFFFFFFF  }
0xb5: {  	_ =	strace $0x90000048  }
0xb6: {  	_ =	sfence  }
0xb7: {  	s30 =	sld [smem:$0x0];
	_ =	sdelay $0x2  }
0xb8: {  	s31 =	sshll.u32 s1, $0xD;
	s1 =	sshrl.u32 s1, $0x2  }
0xb9: {  	s3 =	sand.u32 $0x4000, s31;
	s1 =	sadd.s32 s1, s30  }
0xba: {  	s0 =	sor.u32 s3, s0;
	s1 =	sshll.u32 s1, $0x11  }
0xbb: {  	s0 =	sor.u32 s1, s0  }
0xbc: {  	s0 =	sadd.s32 $0x8F2B, s0  }
0xbd: {  	[sflag:s0] =	ssyncadd.remote.s32 $0x1  }
0xbe: {  	_ =	sfence.sel $0xFFFF  }
0xbf: {  	[dreg:$0x0] =	wrdreg $0xFFFFFFFF;
	(pc) =	sbr.abs _section_cstart, $3  }
0xc0: {  	[dreg:$0x1] =	wrdreg $0xFFFFFFFF  }
0xc1: {  	_ =	task.clear_ibuf [dreg:s7], $0x2FFFF;
	_ =	strace $0x9FFFFFFF  }
0xc2: {  	(tm) =	ssettm $0x7FFFFFFF  }
0xc3: {  	_ =	shalt  }
tec
execute0_lowered:
.L_overlay_start_1:
0x0: {  	(tag) =	ssettag $0x1  }
0x1: {  	s4 =	rddreg [dreg:$0x0]  }
0x2: {  	s5 =	rddreg [dreg:$0x1]  }
0x3: {  	s0 =	rddreg [dreg:$0x2];
	s2 =	simm.s32 $0x0;
	s3 =	srdreg.scid  }
0x4: {  	s1 =	stileid.u32;
	s10 =	simm.s32 $0x8000;
	s11 =	simm.s32 $0x6400  }
0x5: {  	s12 =	simm.s32 $0x1;
	s13 =	simm.s32 $0x2;
	s14 =	simm.s32 $0x6410  }
0x6: {  	s15 =	simm.s32 $0x6420;
	s16 =	simm.s32 $0x11F80;
	s17 =	simm.s32 $0x3  }
0x7: {  	s18 =	simm.s32 $0x12000;
	s19 =	simm.s32 $0x12080;
	s20 =	simm.s32 $0x0  }
0x8: {  	[smem:$0x7FF] =	sst s2;
	s6 =	sand.u32 $0x1, s3;
	s30 =	sshll.u32 s1, $0x1  }
0x9: {  	s3 =	sadd.s32 $0xE00, s5;
	s7 =	sor.u32 s6, s30;
	s6 =	ssub.s32 $0x2, s6  }
0xa: {  	_ =	strace $0x80000047;
	s8 =	sshll.u32 s7, $0x4;
	s31 =	sshrl.u32 s6, $0x1  }
0xb: {  	s7 =	sshll.u32 s7, $0x7;
	s8 =	sadd.s32 s8, s5;
	s9 =	ssub.s32 s6, s31  }
0xc: {  	s4 =	sadd.s32 s4, s7;
	s5 =	sadd.s32 $0x2600, s8;
	s6 =	sadd.s32 $0x2800, s8  }
0xd: {  	v0 =	vlaneseq.u32;
	s7 =	sadd.s32 $0x2A00, s8;
	s8 =	smax.u32 s9, $0x1;
	s9 =	simm.s32 $0x400  }
.LBB2_1:
0xe: {  	[tilespmem:s2], [sflag:$0x1] =	stream.strided.gather [hbm4b:s4+s9], $0x6400, s10, s9, $0x38;
	[tilespmem:$0x12100] =	vst v63  }
0xf: {  	_ = 	snop  }
0x10: {  	[tilespmem:s11], [sflag:$0x2] =	stream.linear.gather [hbm4b:s3+s2], $0xBB80, $0x38;
	[tilespmem:$0x12100] =	vst v63  }
0x11: {  	_ =	swait.ge [sflag:s12], $0x6400  }
0x12: {  	[sflag:s12] =	ssyncset.done $0x0  }
0x13: {  	[sflag:s12] =	ssyncadd.s32 $0xFFFF9C00  }
0x14: {  	_ =	swait.ge [sflag:s13], $0xBB80  }
0x15: {  	[sflag:s13] =	ssyncset.done $0x0  }
0x16: {  	s21 =	simm.s32 $0x100;
	[sflag:s13] =	ssyncadd.s32 $0xFFFF4480  }
0x17: {  	v1 =	vld [tilespmem:s21+$0x80]  }
0x18: {  	v2 =	vld [tilespmem:s21+$0x0]  }
0x19: {  	v3 =	vld [tilespmem:s21+$0xFFFFFF80];
	_ =	sdelay $0x1  }
0x1a: {  	v4 =	vld [tilespmem:s21+$0xFFFFFF00]  }
0x1b: {  	v1 =	vmul.u32 $0x30, v1  }
0x1c: {  	v2 =	vmul.u32 $0x30, v2  }
0x1d: {  	s31 =	simm.s32 $0x300;
	v3 =	vmul.u32 $0x30, v3;
	v11 =	vor.u32 v0, v1  }
0x1e: {  	v7 =	vld [tilespmem:s31+$0x80];
	v2 =	vor.u32 v0, v2  }
0x1f: {  	v8 =	vld [tilespmem:s31+$0x0];
	v1 =	vmul.u32 $0x30, v4;
	v5 =	vor.u32 v0, v3  }
0x20: {  	v12 =	vld [tilespmem:s31+$0xFFFFFF80]  }
0x21: {  	v4 =	vld [tilespmem:s31+$0xFFFFFF00];
	v9 =	vor.u32 v0, v1  }
0x22: {  	v1 =	vld.idx.msk [tilespmem:v11+s11+$0x0], $0xffff  }
0x23: {  	v3 =	vld.idx.msk [tilespmem:v2+s11+$0x0], $0xffff  }
0x24: {  	v6 =	vld.idx.msk [tilespmem:v5+s11+$0x0], $0xffff  }
0x25: {  	v10 =	vld.idx.msk [tilespmem:v5+s15+$0x0], $0xffff  }
0x26: {  	v13 =	vld.idx.msk [tilespmem:v9+s11+$0x0], $0xffff  }
0x27: {  	v14 =	vld.idx.msk [tilespmem:v9+s14+$0x0], $0xffff  }
0x28: {  	v17 =	vld.idx.msk [tilespmem:v9+s15+$0x0], $0xffff  }
0x29: {  	v16 =	vmul.u32 $0x30, v7;
	v7 =	vld.idx.msk [tilespmem:v2+s15+$0x0], $0xffff  }
0x2a: {  	v9 =	vld.idx.msk [tilespmem:v5+s14+$0x0], $0xffff  }
0x2b: {  	v18 =	vimm.f32 $0.0e+00;
	v15 =	vmul.u32 $0x30, v8;
	v8 =	vld.idx.msk [tilespmem:v11+s14+$0x0], $0xffff  }
0x2c: {  	v12 =	vmul.u32 $0x30, v12;
	v5 =	vld.idx.msk [tilespmem:v2+s14+$0x0], $0xffff;
	v13 =	vadd.f32 v13, v18  }
0x2d: {  	s22 =	simm.s32 $0x500;
	s21 =	simm.s32 $0x4;
	v11 =	vld.idx.msk [tilespmem:v11+s15+$0x0], $0xffff;
	v2 =	vor.u32 v0, v16;
	v16 =	vadd.f32 v14, v18;
	v14 =	vadd.f32 v17, v18  }
.LBB2_2:
0x2e: {  	v17 =	vld [tilespmem:s22+$0x80];
	v4 =	vmul.u32 $0x30, v4;
	v15 =	vor.u32 v0, v15;
	v6 =	vadd.f32 v6, v13  }
0x2f: {  	v12 =	vor.u32 v0, v12;
	v13 =	vld [tilespmem:s22+$0x0];
	v9 =	vadd.f32 v9, v16;
	v10 =	vadd.f32 v10, v14  }
0x30: {  	v14 =	vld [tilespmem:s22+$0xFFFFFF80];
	v16 =	vor.u32 v0, v4;
	v3 =	vadd.f32 v3, v6  }
0x31: {  	v4 =	vld [tilespmem:s22+$0xFFFFFF00];
	v5 =	vadd.f32 v5, v9;
	v6 =	vadd.f32 v7, v10  }
0x32: {  	v18 =	vadd.f32 v1, v3;
	v1 =	vld.idx.msk [tilespmem:v2+s11+$0x0], $0xffff  }
0x33: {  	v3 =	vld.idx.msk [tilespmem:v15+s11+$0x0], $0xffff;
	v19 =	vadd.f32 v8, v5;
	v11 =	vadd.f32 v11, v6  }
0x34: {  	v6 =	vld.idx.msk [tilespmem:v12+s11+$0x0], $0xffff  }
0x35: {  	v8 =	vld.idx.msk [tilespmem:v16+s11+$0x0], $0xffff  }
0x36: {  	v20 =	vld.idx.msk [tilespmem:v16+s14+$0x0], $0xffff  }
0x37: {  	s21 =	sadd.s32 $0x4, s21;
	v21 =	vld.idx.msk [tilespmem:v16+s15+$0x0], $0xffff  }
0x38: {  	p0 =	slt.u32 s21, $0xC4;
	v9 =	vld.idx.msk [tilespmem:v12+s14+$0x0], $0xffff  }
.Ltmp0:
0x39: {  	v10 =	vld.idx.msk [tilespmem:v12+s15+$0x0], $0xffff;
	(pc) =	sbr.rel @p0 .LBB2_2-.Ltmp0, $4  }
0x3a: {  	v5 =	vld.idx.msk [tilespmem:v15+s14+$0x0], $0xffff  }
0x3b: {  	v17 =	vmul.u32 $0x30, v17;
	v7 =	vld.idx.msk [tilespmem:v15+s15+$0x0], $0xffff  }
0x3c: {  	v12 =	vmul.u32 $0x30, v14;
	v15 =	vmul.u32 $0x30, v13;
	v13 =	vadd.f32 v8, v18;
	v8 =	vld.idx.msk [tilespmem:v2+s14+$0x0], $0xffff  }
0x3d: {  	s22 =	sadd.s32 $0x200, s22;
	v16 =	vadd.f32 v20, v19;
	v14 =	vadd.f32 v21, v11;
	v11 =	vld.idx.msk [tilespmem:v2+s15+$0x0], $0xffff;
	v2 =	vor.u32 v0, v17  }
0x3e: {  	v4 =	vmul.u32 $0x30, v4;
	v15 =	vor.u32 v0, v15  }
0x3f: {  	v12 =	vor.u32 v0, v12  }
0x40: {  	v4 =	vor.u32 v0, v4;
	_ =	sdelay $0x1  }
0x41: {  	v17 =	vld.idx.msk [tilespmem:v2+s11+$0x0], $0xffff  }
0x42: {  	v18 =	vld.idx.msk [tilespmem:v15+s11+$0x0], $0xffff  }
0x43: {  	v6 =	vadd.f32 v6, v13;
	v13 =	vld.idx.msk [tilespmem:v12+s11+$0x0], $0xffff  }
0x44: {  	v9 =	vadd.f32 v9, v16;
	v16 =	vld.idx.msk [tilespmem:v4+s11+$0x0], $0xffff  }
0x45: {  	v10 =	vadd.f32 v10, v14;
	v3 =	vadd.f32 v3, v6;
	v6 =	vld.idx.msk [tilespmem:v4+s14+$0x0], $0xffff  }
0x46: {  	v5 =	vadd.f32 v5, v9;
	v4 =	vld.idx.msk [tilespmem:v4+s15+$0x0], $0xffff  }
0x47: {  	v7 =	vadd.f32 v7, v10;
	v1 =	vadd.f32 v1, v3;
	v3 =	vld.idx.msk [tilespmem:v12+s14+$0x0], $0xffff  }
0x48: {  	v5 =	vadd.f32 v8, v5;
	v8 =	vld.idx.msk [tilespmem:v12+s15+$0x0], $0xffff  }
0x49: {  	v7 =	vadd.f32 v11, v7;
	v9 =	vld.idx.msk [tilespmem:v15+s14+$0x0], $0xffff;
	v1 =	vadd.f32 v16, v1  }
0x4a: {  	v10 =	vld.idx.msk [tilespmem:v15+s15+$0x0], $0xffff;
	v5 =	vadd.f32 v6, v5  }
0x4b: {  	v6 =	vld.idx.msk [tilespmem:v2+s14+$0x0], $0xffff;
	v4 =	vadd.f32 v4, v7;
	v1 =	vadd.f32 v13, v1  }
0x4c: {  	v2 =	vld.idx.msk [tilespmem:v2+s15+$0x0], $0xffff;
	v3 =	vadd.f32 v3, v5  }
0x4d: {  	v4 =	vadd.f32 v8, v4;
	v1 =	vadd.f32 v18, v1  }
0x4e: {  	v3 =	vadd.f32 v9, v3  }
0x4f: {  	v4 =	vadd.f32 v10, v4;
	v1 =	vadd.f32 v17, v1  }
0x50: {  	v3 =	vadd.f32 v6, v3  }
0x51: {  	v2 =	vadd.f32 v2, v4;
	[tilespmem:$0x11F80] =	vst v1  }
0x52: {  	[tilespmem:$0x12000] =	vst v3  }
0x53: {  	s21 =	simm.s32 $0x110;
	[tilespmem:$0x12080] =	vst v2  }
0x54: {  	v1 =	vld [tilespmem:s21+$0x80]  }
0x55: {  	v2 =	vld [tilespmem:s21+$0x0]  }
0x56: {  	v3 =	vld [tilespmem:s21+$0xFFFFFF80];
	_ =	sdelay $0x1  }
0x57: {  	v4 =	vld [tilespmem:s21+$0xFFFFFF00]  }
0x58: {  	v1 =	vmul.u32 $0x30, v1  }
0x59: {  	v2 =	vmul.u32 $0x30, v2  }
0x5a: {  	s31 =	simm.s32 $0x310;
	v3 =	vmul.u32 $0x30, v3;
	v11 =	vor.u32 v0, v1  }
0x5b: {  	v7 =	vld [tilespmem:s31+$0x80];
	v2 =	vor.u32 v0, v2  }
0x5c: {  	v8 =	vld [tilespmem:s31+$0x0];
	v1 =	vmul.u32 $0x30, v4;
	v5 =	vor.u32 v0, v3  }
0x5d: {  	v12 =	vld [tilespmem:s31+$0xFFFFFF80]  }
0x5e: {  	v4 =	vld [tilespmem:s31+$0xFFFFFF00];
	v9 =	vor.u32 v0, v1  }
0x5f: {  	v1 =	vld.idx.msk [tilespmem:v11+s11+$0x0], $0xffff  }
0x60: {  	v3 =	vld.idx.msk [tilespmem:v2+s11+$0x0], $0xffff  }
0x61: {  	v6 =	vld.idx.msk [tilespmem:v5+s11+$0x0], $0xffff  }
0x62: {  	v10 =	vld.idx.msk [tilespmem:v5+s15+$0x0], $0xffff  }
0x63: {  	v13 =	vld.idx.msk [tilespmem:v9+s11+$0x0], $0xffff  }
0x64: {  	v14 =	vld.idx.msk [tilespmem:v9+s14+$0x0], $0xffff  }
0x65: {  	v17 =	vld.idx.msk [tilespmem:v9+s15+$0x0], $0xffff  }
0x66: {  	v16 =	vmul.u32 $0x30, v7;
	v7 =	vld.idx.msk [tilespmem:v2+s15+$0x0], $0xffff  }
0x67: {  	v9 =	vld.idx.msk [tilespmem:v5+s14+$0x0], $0xffff  }
0x68: {  	v18 =	vimm.f32 $0.0e+00;
	v15 =	vmul.u32 $0x30, v8;
	v8 =	vld.idx.msk [tilespmem:v11+s14+$0x0], $0xffff  }
0x69: {  	v12 =	vmul.u32 $0x30, v12;
	v5 =	vld.idx.msk [tilespmem:v2+s14+$0x0], $0xffff;
	v13 =	vadd.f32 v13, v18  }
0x6a: {  	s22 =	simm.s32 $0x510;
	s21 =	simm.s32 $0x4;
	v11 =	vld.idx.msk [tilespmem:v11+s15+$0x0], $0xffff;
	v2 =	vor.u32 v0, v16;
	v16 =	vadd.f32 v14, v18;
	v14 =	vadd.f32 v17, v18  }
.LBB2_4:
0x6b: {  	v17 =	vld [tilespmem:s22+$0x80];
	v4 =	vmul.u32 $0x30, v4;
	v15 =	vor.u32 v0, v15;
	v6 =	vadd.f32 v6, v13  }
0x6c: {  	v12 =	vor.u32 v0, v12;
	v13 =	vld [tilespmem:s22+$0x0];
	v9 =	vadd.f32 v9, v16;
	v10 =	vadd.f32 v10, v14  }
0x6d: {  	v14 =	vld [tilespmem:s22+$0xFFFFFF80];
	v16 =	vor.u32 v0, v4;
	v3 =	vadd.f32 v3, v6  }
0x6e: {  	v4 =	vld [tilespmem:s22+$0xFFFFFF00];
	v5 =	vadd.f32 v5, v9;
	v6 =	vadd.f32 v7, v10  }
0x6f: {  	v18 =	vadd.f32 v1, v3;
	v1 =	vld.idx.msk [tilespmem:v2+s11+$0x0], $0xffff  }
0x70: {  	v3 =	vld.idx.msk [tilespmem:v15+s11+$0x0], $0xffff;
	v19 =	vadd.f32 v8, v5;
	v11 =	vadd.f32 v11, v6  }
0x71: {  	v6 =	vld.idx.msk [tilespmem:v12+s11+$0x0], $0xffff  }
0x72: {  	v8 =	vld.idx.msk [tilespmem:v16+s11+$0x0], $0xffff  }
0x73: {  	v20 =	vld.idx.msk [tilespmem:v16+s14+$0x0], $0xffff  }
0x74: {  	s21 =	sadd.s32 $0x4, s21;
	v21 =	vld.idx.msk [tilespmem:v16+s15+$0x0], $0xffff  }
0x75: {  	p0 =	slt.u32 s21, $0xC4;
	v9 =	vld.idx.msk [tilespmem:v12+s14+$0x0], $0xffff  }
.Ltmp1:
0x76: {  	v10 =	vld.idx.msk [tilespmem:v12+s15+$0x0], $0xffff;
	(pc) =	sbr.rel @p0 .LBB2_4-.Ltmp1, $4  }
0x77: {  	v5 =	vld.idx.msk [tilespmem:v15+s14+$0x0], $0xffff  }
0x78: {  	v17 =	vmul.u32 $0x30, v17;
	v7 =	vld.idx.msk [tilespmem:v15+s15+$0x0], $0xffff  }
0x79: {  	v12 =	vmul.u32 $0x30, v14;
	v15 =	vmul.u32 $0x30, v13;
	v13 =	vadd.f32 v8, v18;
	v8 =	vld.idx.msk [tilespmem:v2+s14+$0x0], $0xffff  }
0x7a: {  	s22 =	sadd.s32 $0x200, s22;
	v16 =	vadd.f32 v20, v19;
	v14 =	vadd.f32 v21, v11;
	v11 =	vld.idx.msk [tilespmem:v2+s15+$0x0], $0xffff;
	v2 =	vor.u32 v0, v17  }
0x7b: {  	v4 =	vmul.u32 $0x30, v4;
	v15 =	vor.u32 v0, v15  }
0x7c: {  	v12 =	vor.u32 v0, v12  }
0x7d: {  	v4 =	vor.u32 v0, v4;
	_ =	sdelay $0x1  }
0x7e: {  	v17 =	vld.idx.msk [tilespmem:v2+s11+$0x0], $0xffff  }
0x7f: {  	v18 =	vld.idx.msk [tilespmem:v15+s11+$0x0], $0xffff  }
0x80: {  	v6 =	vadd.f32 v6, v13;
	v13 =	vld.idx.msk [tilespmem:v12+s11+$0x0], $0xffff  }
0x81: {  	v9 =	vadd.f32 v9, v16;
	v16 =	vld.idx.msk [tilespmem:v4+s11+$0x0], $0xffff  }
0x82: {  	v10 =	vadd.f32 v10, v14;
	v3 =	vadd.f32 v3, v6;
	v6 =	vld.idx.msk [tilespmem:v4+s14+$0x0], $0xffff  }
0x83: {  	v5 =	vadd.f32 v5, v9;
	v4 =	vld.idx.msk [tilespmem:v4+s15+$0x0], $0xffff  }
0x84: {  	v7 =	vadd.f32 v7, v10;
	v1 =	vadd.f32 v1, v3;
	v3 =	vld.idx.msk [tilespmem:v12+s14+$0x0], $0xffff  }
0x85: {  	v5 =	vadd.f32 v8, v5;
	v8 =	vld.idx.msk [tilespmem:v12+s15+$0x0], $0xffff  }
0x86: {  	v7 =	vadd.f32 v11, v7;
	v9 =	vld.idx.msk [tilespmem:v15+s14+$0x0], $0xffff;
	v1 =	vadd.f32 v16, v1  }
0x87: {  	v10 =	vld.idx.msk [tilespmem:v15+s15+$0x0], $0xffff;
	v5 =	vadd.f32 v6, v5  }
0x88: {  	v6 =	vld.idx.msk [tilespmem:v2+s14+$0x0], $0xffff;
	v4 =	vadd.f32 v4, v7;
	v1 =	vadd.f32 v13, v1  }
0x89: {  	v2 =	vld.idx.msk [tilespmem:v2+s15+$0x0], $0xffff;
	v3 =	vadd.f32 v3, v5  }
0x8a: {  	v4 =	vadd.f32 v8, v4;
	v1 =	vadd.f32 v18, v1  }
0x8b: {  	v3 =	vadd.f32 v9, v3  }
0x8c: {  	v4 =	vadd.f32 v10, v4;
	v1 =	vadd.f32 v17, v1  }
0x8d: {  	v3 =	vadd.f32 v6, v3  }
0x8e: {  	v2 =	vadd.f32 v2, v4;
	[tilespmem:$0x11F90] =	vst v1  }
0x8f: {  	[tilespmem:$0x12010] =	vst v3  }
0x90: {  	s21 =	simm.s32 $0x120;
	[tilespmem:$0x12090] =	vst v2  }
0x91: {  	v1 =	vld [tilespmem:s21+$0x80]  }
0x92: {  	v2 =	vld [tilespmem:s21+$0x0]  }
0x93: {  	v3 =	vld [tilespmem:s21+$0xFFFFFF80];
	_ =	sdelay $0x1  }
0x94: {  	v4 =	vld [tilespmem:s21+$0xFFFFFF00]  }
0x95: {  	v1 =	vmul.u32 $0x30, v1  }
0x96: {  	v2 =	vmul.u32 $0x30, v2  }
0x97: {  	s31 =	simm.s32 $0x320;
	v3 =	vmul.u32 $0x30, v3;
	v11 =	vor.u32 v0, v1  }
0x98: {  	v7 =	vld [tilespmem:s31+$0x80];
	v2 =	vor.u32 v0, v2  }
0x99: {  	v8 =	vld [tilespmem:s31+$0x0];
	v1 =	vmul.u32 $0x30, v4;
	v5 =	vor.u32 v0, v3  }
0x9a: {  	v12 =	vld [tilespmem:s31+$0xFFFFFF80]  }
0x9b: {  	v4 =	vld [tilespmem:s31+$0xFFFFFF00];
	v9 =	vor.u32 v0, v1  }
0x9c: {  	v1 =	vld.idx.msk [tilespmem:v11+s11+$0x0], $0xffff  }
0x9d: {  	v3 =	vld.idx.msk [tilespmem:v2+s11+$0x0], $0xffff  }
0x9e: {  	v6 =	vld.idx.msk [tilespmem:v5+s11+$0x0], $0xffff  }
0x9f: {  	v10 =	vld.idx.msk [tilespmem:v5+s15+$0x0], $0xffff  }
0xa0: {  	v13 =	vld.idx.msk [tilespmem:v9+s11+$0x0], $0xffff  }
0xa1: {  	v14 =	vld.idx.msk [tilespmem:v9+s14+$0x0], $0xffff  }
0xa2: {  	v17 =	vld.idx.msk [tilespmem:v9+s15+$0x0], $0xffff  }
0xa3: {  	v16 =	vmul.u32 $0x30, v7;
	v7 =	vld.idx.msk [tilespmem:v2+s15+$0x0], $0xffff  }
0xa4: {  	v9 =	vld.idx.msk [tilespmem:v5+s14+$0x0], $0xffff  }
0xa5: {  	v18 =	vimm.f32 $0.0e+00;
	v15 =	vmul.u32 $0x30, v8;
	v8 =	vld.idx.msk [tilespmem:v11+s14+$0x0], $0xffff  }
0xa6: {  	v12 =	vmul.u32 $0x30, v12;
	v5 =	vld.idx.msk [tilespmem:v2+s14+$0x0], $0xffff;
	v13 =	vadd.f32 v13, v18  }
0xa7: {  	s22 =	simm.s32 $0x520;
	s21 =	simm.s32 $0x4;
	v11 =	vld.idx.msk [tilespmem:v11+s15+$0x0], $0xffff;
	v2 =	vor.u32 v0, v16;
	v16 =	vadd.f32 v14, v18;
	v14 =	vadd.f32 v17, v18  }
.LBB2_6:
0xa8: {  	v17 =	vld [tilespmem:s22+$0x80];
	v4 =	vmul.u32 $0x30, v4;
	v15 =	vor.u32 v0, v15;
	v6 =	vadd.f32 v6, v13  }
0xa9: {  	v12 =	vor.u32 v0, v12;
	v13 =	vld [tilespmem:s22+$0x0];
	v9 =	vadd.f32 v9, v16;
	v10 =	vadd.f32 v10, v14  }
0xaa: {  	v14 =	vld [tilespmem:s22+$0xFFFFFF80];
	v16 =	vor.u32 v0, v4;
	v3 =	vadd.f32 v3, v6  }
0xab: {  	v4 =	vld [tilespmem:s22+$0xFFFFFF00];
	v5 =	vadd.f32 v5, v9;
	v6 =	vadd.f32 v7, v10  }
0xac: {  	v18 =	vadd.f32 v1, v3;
	v1 =	vld.idx.msk [tilespmem:v2+s11+$0x0], $0xffff  }
0xad: {  	v3 =	vld.idx.msk [tilespmem:v15+s11+$0x0], $0xffff;
	v19 =	vadd.f32 v8, v5;
	v11 =	vadd.f32 v11, v6  }
0xae: {  	v6 =	vld.idx.msk [tilespmem:v12+s11+$0x0], $0xffff  }
0xaf: {  	v8 =	vld.idx.msk [tilespmem:v16+s11+$0x0], $0xffff  }
0xb0: {  	v20 =	vld.idx.msk [tilespmem:v16+s14+$0x0], $0xffff  }
0xb1: {  	s21 =	sadd.s32 $0x4, s21;
	v21 =	vld.idx.msk [tilespmem:v16+s15+$0x0], $0xffff  }
0xb2: {  	p0 =	slt.u32 s21, $0xC4;
	v9 =	vld.idx.msk [tilespmem:v12+s14+$0x0], $0xffff  }
.Ltmp2:
0xb3: {  	v10 =	vld.idx.msk [tilespmem:v12+s15+$0x0], $0xffff;
	(pc) =	sbr.rel @p0 .LBB2_6-.Ltmp2, $4  }
0xb4: {  	v5 =	vld.idx.msk [tilespmem:v15+s14+$0x0], $0xffff  }
0xb5: {  	v17 =	vmul.u32 $0x30, v17;
	v7 =	vld.idx.msk [tilespmem:v15+s15+$0x0], $0xffff  }
0xb6: {  	v12 =	vmul.u32 $0x30, v14;
	v15 =	vmul.u32 $0x30, v13;
	v13 =	vadd.f32 v8, v18;
	v8 =	vld.idx.msk [tilespmem:v2+s14+$0x0], $0xffff  }
0xb7: {  	s22 =	sadd.s32 $0x200, s22;
	v16 =	vadd.f32 v20, v19;
	v14 =	vadd.f32 v21, v11;
	v11 =	vld.idx.msk [tilespmem:v2+s15+$0x0], $0xffff;
	v2 =	vor.u32 v0, v17  }
0xb8: {  	v4 =	vmul.u32 $0x30, v4;
	v15 =	vor.u32 v0, v15  }
0xb9: {  	v12 =	vor.u32 v0, v12  }
0xba: {  	v4 =	vor.u32 v0, v4;
	_ =	sdelay $0x1  }
0xbb: {  	v17 =	vld.idx.msk [tilespmem:v2+s11+$0x0], $0xffff  }
0xbc: {  	v18 =	vld.idx.msk [tilespmem:v15+s11+$0x0], $0xffff  }
0xbd: {  	v6 =	vadd.f32 v6, v13;
	v13 =	vld.idx.msk [tilespmem:v12+s11+$0x0], $0xffff  }
0xbe: {  	v9 =	vadd.f32 v9, v16;
	v16 =	vld.idx.msk [tilespmem:v4+s11+$0x0], $0xffff  }
0xbf: {  	v10 =	vadd.f32 v10, v14;
	v3 =	vadd.f32 v3, v6;
	v6 =	vld.idx.msk [tilespmem:v4+s14+$0x0], $0xffff  }
0xc0: {  	v5 =	vadd.f32 v5, v9;
	v4 =	vld.idx.msk [tilespmem:v4+s15+$0x0], $0xffff  }
0xc1: {  	v7 =	vadd.f32 v7, v10;
	v1 =	vadd.f32 v1, v3;
	v3 =	vld.idx.msk [tilespmem:v12+s14+$0x0], $0xffff  }
0xc2: {  	v5 =	vadd.f32 v8, v5;
	v8 =	vld.idx.msk [tilespmem:v12+s15+$0x0], $0xffff  }
0xc3: {  	v7 =	vadd.f32 v11, v7;
	v9 =	vld.idx.msk [tilespmem:v15+s14+$0x0], $0xffff;
	v1 =	vadd.f32 v16, v1  }
0xc4: {  	v10 =	vld.idx.msk [tilespmem:v15+s15+$0x0], $0xffff;
	v5 =	vadd.f32 v6, v5  }
0xc5: {  	v6 =	vld.idx.msk [tilespmem:v2+s14+$0x0], $0xffff;
	v4 =	vadd.f32 v4, v7;
	v1 =	vadd.f32 v13, v1  }
0xc6: {  	v2 =	vld.idx.msk [tilespmem:v2+s15+$0x0], $0xffff;
	v3 =	vadd.f32 v3, v5  }
0xc7: {  	v4 =	vadd.f32 v8, v4;
	v1 =	vadd.f32 v18, v1  }
0xc8: {  	v3 =	vadd.f32 v9, v3  }
0xc9: {  	v4 =	vadd.f32 v10, v4;
	v1 =	vadd.f32 v17, v1  }
0xca: {  	v3 =	vadd.f32 v6, v3  }
0xcb: {  	v2 =	vadd.f32 v2, v4;
	[tilespmem:$0x11FA0] =	vst v1  }
0xcc: {  	[tilespmem:$0x12020] =	vst v3  }
0xcd: {  	s21 =	simm.s32 $0x130;
	[tilespmem:$0x120A0] =	vst v2  }
0xce: {  	v1 =	vld [tilespmem:s21+$0x80]  }
0xcf: {  	v2 =	vld [tilespmem:s21+$0x0]  }
0xd0: {  	v3 =	vld [tilespmem:s21+$0xFFFFFF80];
	_ =	sdelay $0x1  }
0xd1: {  	v4 =	vld [tilespmem:s21+$0xFFFFFF00]  }
0xd2: {  	v1 =	vmul.u32 $0x30, v1  }
0xd3: {  	v2 =	vmul.u32 $0x30, v2  }
0xd4: {  	s31 =	simm.s32 $0x330;
	v3 =	vmul.u32 $0x30, v3;
	v11 =	vor.u32 v0, v1  }
0xd5: {  	v7 =	vld [tilespmem:s31+$0x80];
	v2 =	vor.u32 v0, v2  }
0xd6: {  	v8 =	vld [tilespmem:s31+$0x0];
	v1 =	vmul.u32 $0x30, v4;
	v5 =	vor.u32 v0, v3  }
0xd7: {  	v12 =	vld [tilespmem:s31+$0xFFFFFF80]  }
0xd8: {  	v4 =	vld [tilespmem:s31+$0xFFFFFF00];
	v9 =	vor.u32 v0, v1  }
0xd9: {  	v1 =	vld.idx.msk [tilespmem:v11+s11+$0x0], $0xffff  }
0xda: {  	v3 =	vld.idx.msk [tilespmem:v2+s11+$0x0], $0xffff  }
0xdb: {  	v6 =	vld.idx.msk [tilespmem:v5+s11+$0x0], $0xffff  }
0xdc: {  	v10 =	vld.idx.msk [tilespmem:v5+s15+$0x0], $0xffff  }
0xdd: {  	v13 =	vld.idx.msk [tilespmem:v9+s11+$0x0], $0xffff  }
0xde: {  	v14 =	vld.idx.msk [tilespmem:v9+s14+$0x0], $0xffff  }
0xdf: {  	v17 =	vld.idx.msk [tilespmem:v9+s15+$0x0], $0xffff  }
0xe0: {  	v16 =	vmul.u32 $0x30, v7;
	v7 =	vld.idx.msk [tilespmem:v2+s15+$0x0], $0xffff  }
0xe1: {  	v9 =	vld.idx.msk [tilespmem:v5+s14+$0x0], $0xffff  }
0xe2: {  	v18 =	vimm.f32 $0.0e+00;
	v15 =	vmul.u32 $0x30, v8;
	v8 =	vld.idx.msk [tilespmem:v11+s14+$0x0], $0xffff  }
0xe3: {  	v12 =	vmul.u32 $0x30, v12;
	v5 =	vld.idx.msk [tilespmem:v2+s14+$0x0], $0xffff;
	v13 =	vadd.f32 v13, v18  }
0xe4: {  	s22 =	simm.s32 $0x530;
	s21 =	simm.s32 $0x4;
	v11 =	vld.idx.msk [tilespmem:v11+s15+$0x0], $0xffff;
	v2 =	vor.u32 v0, v16;
	v16 =	vadd.f32 v14, v18;
	v14 =	vadd.f32 v17, v18  }
.LBB2_8:
0xe5: {  	v17 =	vld [tilespmem:s22+$0x80];
	v4 =	vmul.u32 $0x30, v4;
	v15 =	vor.u32 v0, v15;
	v6 =	vadd.f32 v6, v13  }
0xe6: {  	v12 =	vor.u32 v0, v12;
	v13 =	vld [tilespmem:s22+$0x0];
	v9 =	vadd.f32 v9, v16;
	v10 =	vadd.f32 v10, v14  }
0xe7: {  	v14 =	vld [tilespmem:s22+$0xFFFFFF80];
	v16 =	vor.u32 v0, v4;
	v3 =	vadd.f32 v3, v6  }
0xe8: {  	v4 =	vld [tilespmem:s22+$0xFFFFFF00];
	v5 =	vadd.f32 v5, v9;
	v6 =	vadd.f32 v7, v10  }
0xe9: {  	v18 =	vadd.f32 v1, v3;
	v1 =	vld.idx.msk [tilespmem:v2+s11+$0x0], $0xffff  }
0xea: {  	v3 =	vld.idx.msk [tilespmem:v15+s11+$0x0], $0xffff;
	v19 =	vadd.f32 v8, v5;
	v11 =	vadd.f32 v11, v6  }
0xeb: {  	v6 =	vld.idx.msk [tilespmem:v12+s11+$0x0], $0xffff  }
0xec: {  	v8 =	vld.idx.msk [tilespmem:v16+s11+$0x0], $0xffff  }
0xed: {  	v20 =	vld.idx.msk [tilespmem:v16+s14+$0x0], $0xffff  }
0xee: {  	s21 =	sadd.s32 $0x4, s21;
	v21 =	vld.idx.msk [tilespmem:v16+s15+$0x0], $0xffff  }
0xef: {  	p0 =	slt.u32 s21, $0xC4;
	v9 =	vld.idx.msk [tilespmem:v12+s14+$0x0], $0xffff  }
.Ltmp3:
0xf0: {  	v10 =	vld.idx.msk [tilespmem:v12+s15+$0x0], $0xffff;
	(pc) =	sbr.rel @p0 .LBB2_8-.Ltmp3, $4  }
0xf1: {  	v5 =	vld.idx.msk [tilespmem:v15+s14+$0x0], $0xffff  }
0xf2: {  	v17 =	vmul.u32 $0x30, v17;
	v7 =	vld.idx.msk [tilespmem:v15+s15+$0x0], $0xffff  }
0xf3: {  	v12 =	vmul.u32 $0x30, v14;
	v15 =	vmul.u32 $0x30, v13;
	v13 =	vadd.f32 v8, v18;
	v8 =	vld.idx.msk [tilespmem:v2+s14+$0x0], $0xffff  }
0xf4: {  	s22 =	sadd.s32 $0x200, s22;
	v16 =	vadd.f32 v20, v19;
	v14 =	vadd.f32 v21, v11;
	v11 =	vld.idx.msk [tilespmem:v2+s15+$0x0], $0xffff;
	v2 =	vor.u32 v0, v17  }
0xf5: {  	v4 =	vmul.u32 $0x30, v4;
	v15 =	vor.u32 v0, v15  }
0xf6: {  	v12 =	vor.u32 v0, v12  }
0xf7: {  	v4 =	vor.u32 v0, v4;
	_ =	sdelay $0x1  }
0xf8: {  	v17 =	vld.idx.msk [tilespmem:v2+s11+$0x0], $0xffff  }
0xf9: {  	v18 =	vld.idx.msk [tilespmem:v15+s11+$0x0], $0xffff  }
0xfa: {  	v6 =	vadd.f32 v6, v13;
	v13 =	vld.idx.msk [tilespmem:v12+s11+$0x0], $0xffff  }
0xfb: {  	v9 =	vadd.f32 v9, v16;
	v16 =	vld.idx.msk [tilespmem:v4+s11+$0x0], $0xffff  }
0xfc: {  	v10 =	vadd.f32 v10, v14;
	v3 =	vadd.f32 v3, v6;
	v6 =	vld.idx.msk [tilespmem:v4+s14+$0x0], $0xffff  }
0xfd: {  	v5 =	vadd.f32 v5, v9;
	v4 =	vld.idx.msk [tilespmem:v4+s15+$0x0], $0xffff  }
0xfe: {  	v7 =	vadd.f32 v7, v10;
	v1 =	vadd.f32 v1, v3;
	v3 =	vld.idx.msk [tilespmem:v12+s14+$0x0], $0xffff  }
0xff: {  	v5 =	vadd.f32 v8, v5;
	v8 =	vld.idx.msk [tilespmem:v12+s15+$0x0], $0xffff  }
0x100: {  	v7 =	vadd.f32 v11, v7;
	v9 =	vld.idx.msk [tilespmem:v15+s14+$0x0], $0xffff;
	v1 =	vadd.f32 v16, v1  }
0x101: {  	v10 =	vld.idx.msk [tilespmem:v15+s15+$0x0], $0xffff;
	v5 =	vadd.f32 v6, v5  }
0x102: {  	v6 =	vld.idx.msk [tilespmem:v2+s14+$0x0], $0xffff;
	v4 =	vadd.f32 v4, v7;
	v1 =	vadd.f32 v13, v1  }
0x103: {  	v2 =	vld.idx.msk [tilespmem:v2+s15+$0x0], $0xffff;
	v3 =	vadd.f32 v3, v5  }
0x104: {  	v4 =	vadd.f32 v8, v4;
	v1 =	vadd.f32 v18, v1  }
0x105: {  	v3 =	vadd.f32 v9, v3  }
0x106: {  	v4 =	vadd.f32 v10, v4;
	v1 =	vadd.f32 v17, v1  }
0x107: {  	v3 =	vadd.f32 v6, v3  }
0x108: {  	v2 =	vadd.f32 v2, v4;
	[tilespmem:$0x11FB0] =	vst v1  }
0x109: {  	[tilespmem:$0x12030] =	vst v3  }
0x10a: {  	s21 =	simm.s32 $0x140;
	[tilespmem:$0x120B0] =	vst v2  }
0x10b: {  	v1 =	vld [tilespmem:s21+$0x80]  }
0x10c: {  	v2 =	vld [tilespmem:s21+$0x0]  }
0x10d: {  	v3 =	vld [tilespmem:s21+$0xFFFFFF80];
	_ =	sdelay $0x1  }
0x10e: {  	v4 =	vld [tilespmem:s21+$0xFFFFFF00]  }
0x10f: {  	v1 =	vmul.u32 $0x30, v1  }
0x110: {  	v2 =	vmul.u32 $0x30, v2  }
0x111: {  	s31 =	simm.s32 $0x340;
	v3 =	vmul.u32 $0x30, v3;
	v11 =	vor.u32 v0, v1  }
0x112: {  	v7 =	vld [tilespmem:s31+$0x80];
	v2 =	vor.u32 v0, v2  }
0x113: {  	v8 =	vld [tilespmem:s31+$0x0];
	v1 =	vmul.u32 $0x30, v4;
	v5 =	vor.u32 v0, v3  }
0x114: {  	v12 =	vld [tilespmem:s31+$0xFFFFFF80]  }
0x115: {  	v4 =	vld [tilespmem:s31+$0xFFFFFF00];
	v9 =	vor.u32 v0, v1  }
0x116: {  	v1 =	vld.idx.msk [tilespmem:v11+s11+$0x0], $0xffff  }
0x117: {  	v3 =	vld.idx.msk [tilespmem:v2+s11+$0x0], $0xffff  }
0x118: {  	v6 =	vld.idx.msk [tilespmem:v5+s11+$0x0], $0xffff  }
0x119: {  	v10 =	vld.idx.msk [tilespmem:v5+s15+$0x0], $0xffff  }
0x11a: {  	v13 =	vld.idx.msk [tilespmem:v9+s11+$0x0], $0xffff  }
0x11b: {  	v14 =	vld.idx.msk [tilespmem:v9+s14+$0x0], $0xffff  }
0x11c: {  	v17 =	vld.idx.msk [tilespmem:v9+s15+$0x0], $0xffff  }
0x11d: {  	v16 =	vmul.u32 $0x30, v7;
	v7 =	vld.idx.msk [tilespmem:v2+s15+$0x0], $0xffff  }
0x11e: {  	v9 =	vld.idx.msk [tilespmem:v5+s14+$0x0], $0xffff  }
0x11f: {  	v18 =	vimm.f32 $0.0e+00;
	v15 =	vmul.u32 $0x30, v8;
	v8 =	vld.idx.msk [tilespmem:v11+s14+$0x0], $0xffff  }
0x120: {  	v12 =	vmul.u32 $0x30, v12;
	v5 =	vld.idx.msk [tilespmem:v2+s14+$0x0], $0xffff;
	v13 =	vadd.f32 v13, v18  }
0x121: {  	s22 =	simm.s32 $0x540;
	s21 =	simm.s32 $0x4;
	v11 =	vld.idx.msk [tilespmem:v11+s15+$0x0], $0xffff;
	v2 =	vor.u32 v0, v16;
	v16 =	vadd.f32 v14, v18;
	v14 =	vadd.f32 v17, v18  }
.LBB2_10:
0x122: {  	v17 =	vld [tilespmem:s22+$0x80];
	v4 =	vmul.u32 $0x30, v4;
	v15 =	vor.u32 v0, v15;
	v6 =	vadd.f32 v6, v13  }
0x123: {  	v12 =	vor.u32 v0, v12;
	v13 =	vld [tilespmem:s22+$0x0];
	v9 =	vadd.f32 v9, v16;
	v10 =	vadd.f32 v10, v14  }
0x124: {  	v14 =	vld [tilespmem:s22+$0xFFFFFF80];
	v16 =	vor.u32 v0, v4;
	v3 =	vadd.f32 v3, v6  }
0x125: {  	v4 =	vld [tilespmem:s22+$0xFFFFFF00];
	v5 =	vadd.f32 v5, v9;
	v6 =	vadd.f32 v7, v10  }
0x126: {  	v18 =	vadd.f32 v1, v3;
	v1 =	vld.idx.msk [tilespmem:v2+s11+$0x0], $0xffff  }
0x127: {  	v3 =	vld.idx.msk [tilespmem:v15+s11+$0x0], $0xffff;
	v19 =	vadd.f32 v8, v5;
	v11 =	vadd.f32 v11, v6  }
0x128: {  	v6 =	vld.idx.msk [tilespmem:v12+s11+$0x0], $0xffff  }
0x129: {  	v8 =	vld.idx.msk [tilespmem:v16+s11+$0x0], $0xffff  }
0x12a: {  	v20 =	vld.idx.msk [tilespmem:v16+s14+$0x0], $0xffff  }
0x12b: {  	s21 =	sadd.s32 $0x4, s21;
	v21 =	vld.idx.msk [tilespmem:v16+s15+$0x0], $0xffff  }
0x12c: {  	p0 =	slt.u32 s21, $0xC4;
	v9 =	vld.idx.msk [tilespmem:v12+s14+$0x0], $0xffff  }
.Ltmp4:
0x12d: {  	v10 =	vld.idx.msk [tilespmem:v12+s15+$0x0], $0xffff;
	(pc) =	sbr.rel @p0 .LBB2_10-.Ltmp4, $4  }
0x12e: {  	v5 =	vld.idx.msk [tilespmem:v15+s14+$0x0], $0xffff  }
0x12f: {  	v17 =	vmul.u32 $0x30, v17;
	v7 =	vld.idx.msk [tilespmem:v15+s15+$0x0], $0xffff  }
0x130: {  	v12 =	vmul.u32 $0x30, v14;
	v15 =	vmul.u32 $0x30, v13;
	v13 =	vadd.f32 v8, v18;
	v8 =	vld.idx.msk [tilespmem:v2+s14+$0x0], $0xffff  }
0x131: {  	s22 =	sadd.s32 $0x200, s22;
	v16 =	vadd.f32 v20, v19;
	v14 =	vadd.f32 v21, v11;
	v11 =	vld.idx.msk [tilespmem:v2+s15+$0x0], $0xffff;
	v2 =	vor.u32 v0, v17  }
0x132: {  	v4 =	vmul.u32 $0x30, v4;
	v15 =	vor.u32 v0, v15  }
0x133: {  	v12 =	vor.u32 v0, v12  }
0x134: {  	v4 =	vor.u32 v0, v4;
	_ =	sdelay $0x1  }
0x135: {  	v17 =	vld.idx.msk [tilespmem:v2+s11+$0x0], $0xffff  }
0x136: {  	v18 =	vld.idx.msk [tilespmem:v15+s11+$0x0], $0xffff  }
0x137: {  	v6 =	vadd.f32 v6, v13;
	v13 =	vld.idx.msk [tilespmem:v12+s11+$0x0], $0xffff  }
0x138: {  	v9 =	vadd.f32 v9, v16;
	v16 =	vld.idx.msk [tilespmem:v4+s11+$0x0], $0xffff  }
0x139: {  	v10 =	vadd.f32 v10, v14;
	v3 =	vadd.f32 v3, v6;
	v6 =	vld.idx.msk [tilespmem:v4+s14+$0x0], $0xffff  }
0x13a: {  	v5 =	vadd.f32 v5, v9;
	v4 =	vld.idx.msk [tilespmem:v4+s15+$0x0], $0xffff  }
0x13b: {  	v7 =	vadd.f32 v7, v10;
	v1 =	vadd.f32 v1, v3;
	v3 =	vld.idx.msk [tilespmem:v12+s14+$0x0], $0xffff  }
0x13c: {  	v5 =	vadd.f32 v8, v5;
	v8 =	vld.idx.msk [tilespmem:v12+s15+$0x0], $0xffff  }
0x13d: {  	v7 =	vadd.f32 v11, v7;
	v9 =	vld.idx.msk [tilespmem:v15+s14+$0x0], $0xffff;
	v1 =	vadd.f32 v16, v1  }
0x13e: {  	v10 =	vld.idx.msk [tilespmem:v15+s15+$0x0], $0xffff;
	v5 =	vadd.f32 v6, v5  }
0x13f: {  	v6 =	vld.idx.msk [tilespmem:v2+s14+$0x0], $0xffff;
	v4 =	vadd.f32 v4, v7;
	v1 =	vadd.f32 v13, v1  }
0x140: {  	v2 =	vld.idx.msk [tilespmem:v2+s15+$0x0], $0xffff;
	v3 =	vadd.f32 v3, v5  }
0x141: {  	v4 =	vadd.f32 v8, v4;
	v1 =	vadd.f32 v18, v1  }
0x142: {  	v3 =	vadd.f32 v9, v3  }
0x143: {  	v4 =	vadd.f32 v10, v4;
	v1 =	vadd.f32 v17, v1  }
0x144: {  	v3 =	vadd.f32 v6, v3  }
0x145: {  	v2 =	vadd.f32 v2, v4;
	[tilespmem:$0x11FC0] =	vst v1  }
0x146: {  	[tilespmem:$0x12040] =	vst v3  }
0x147: {  	s21 =	simm.s32 $0x150;
	[tilespmem:$0x120C0] =	vst v2  }
0x148: {  	v1 =	vld [tilespmem:s21+$0x80]  }
0x149: {  	v2 =	vld [tilespmem:s21+$0x0]  }
0x14a: {  	v3 =	vld [tilespmem:s21+$0xFFFFFF80];
	_ =	sdelay $0x1  }
0x14b: {  	v4 =	vld [tilespmem:s21+$0xFFFFFF00]  }
0x14c: {  	v1 =	vmul.u32 $0x30, v1  }
0x14d: {  	v2 =	vmul.u32 $0x30, v2  }
0x14e: {  	s31 =	simm.s32 $0x350;
	v3 =	vmul.u32 $0x30, v3;
	v11 =	vor.u32 v0, v1  }
0x14f: {  	v7 =	vld [tilespmem:s31+$0x80];
	v2 =	vor.u32 v0, v2  }
0x150: {  	v8 =	vld [tilespmem:s31+$0x0];
	v1 =	vmul.u32 $0x30, v4;
	v5 =	vor.u32 v0, v3  }
0x151: {  	v12 =	vld [tilespmem:s31+$0xFFFFFF80]  }
0x152: {  	v4 =	vld [tilespmem:s31+$0xFFFFFF00];
	v9 =	vor.u32 v0, v1  }
0x153: {  	v1 =	vld.idx.msk [tilespmem:v11+s11+$0x0], $0xffff  }
0x154: {  	v3 =	vld.idx.msk [tilespmem:v2+s11+$0x0], $0xffff  }
0x155: {  	v6 =	vld.idx.msk [tilespmem:v5+s11+$0x0], $0xffff  }
0x156: {  	v10 =	vld.idx.msk [tilespmem:v5+s15+$0x0], $0xffff  }
0x157: {  	v13 =	vld.idx.msk [tilespmem:v9+s11+$0x0], $0xffff  }
0x158: {  	v14 =	vld.idx.msk [tilespmem:v9+s14+$0x0], $0xffff  }
0x159: {  	v17 =	vld.idx.msk [tilespmem:v9+s15+$0x0], $0xffff  }
0x15a: {  	v16 =	vmul.u32 $0x30, v7;
	v7 =	vld.idx.msk [tilespmem:v2+s15+$0x0], $0xffff  }
0x15b: {  	v9 =	vld.idx.msk [tilespmem:v5+s14+$0x0], $0xffff  }
0x15c: {  	v18 =	vimm.f32 $0.0e+00;
	v15 =	vmul.u32 $0x30, v8;
	v8 =	vld.idx.msk [tilespmem:v11+s14+$0x0], $0xffff  }
0x15d: {  	v12 =	vmul.u32 $0x30, v12;
	v5 =	vld.idx.msk [tilespmem:v2+s14+$0x0], $0xffff;
	v13 =	vadd.f32 v13, v18  }
0x15e: {  	s22 =	simm.s32 $0x550;
	s21 =	simm.s32 $0x4;
	v11 =	vld.idx.msk [tilespmem:v11+s15+$0x0], $0xffff;
	v2 =	vor.u32 v0, v16;
	v16 =	vadd.f32 v14, v18;
	v14 =	vadd.f32 v17, v18  }
.LBB2_12:
0x15f: {  	v17 =	vld [tilespmem:s22+$0x80];
	v4 =	vmul.u32 $0x30, v4;
	v15 =	vor.u32 v0, v15;
	v6 =	vadd.f32 v6, v13  }
0x160: {  	v12 =	vor.u32 v0, v12;
	v13 =	vld [tilespmem:s22+$0x0];
	v9 =	vadd.f32 v9, v16;
	v10 =	vadd.f32 v10, v14  }
0x161: {  	v14 =	vld [tilespmem:s22+$0xFFFFFF80];
	v16 =	vor.u32 v0, v4;
	v3 =	vadd.f32 v3, v6  }
0x162: {  	v4 =	vld [tilespmem:s22+$0xFFFFFF00];
	v5 =	vadd.f32 v5, v9;
	v6 =	vadd.f32 v7, v10  }
0x163: {  	v18 =	vadd.f32 v1, v3;
	v1 =	vld.idx.msk [tilespmem:v2+s11+$0x0], $0xffff  }
0x164: {  	v3 =	vld.idx.msk [tilespmem:v15+s11+$0x0], $0xffff;
	v19 =	vadd.f32 v8, v5;
	v11 =	vadd.f32 v11, v6  }
0x165: {  	v6 =	vld.idx.msk [tilespmem:v12+s11+$0x0], $0xffff  }
0x166: {  	v8 =	vld.idx.msk [tilespmem:v16+s11+$0x0], $0xffff  }
0x167: {  	v20 =	vld.idx.msk [tilespmem:v16+s14+$0x0], $0xffff  }
0x168: {  	s21 =	sadd.s32 $0x4, s21;
	v21 =	vld.idx.msk [tilespmem:v16+s15+$0x0], $0xffff  }
0x169: {  	p0 =	slt.u32 s21, $0xC4;
	v9 =	vld.idx.msk [tilespmem:v12+s14+$0x0], $0xffff  }
.Ltmp5:
0x16a: {  	v10 =	vld.idx.msk [tilespmem:v12+s15+$0x0], $0xffff;
	(pc) =	sbr.rel @p0 .LBB2_12-.Ltmp5, $4  }
0x16b: {  	v5 =	vld.idx.msk [tilespmem:v15+s14+$0x0], $0xffff  }
0x16c: {  	v17 =	vmul.u32 $0x30, v17;
	v7 =	vld.idx.msk [tilespmem:v15+s15+$0x0], $0xffff  }
0x16d: {  	v12 =	vmul.u32 $0x30, v14;
	v15 =	vmul.u32 $0x30, v13;
	v13 =	vadd.f32 v8, v18;
	v8 =	vld.idx.msk [tilespmem:v2+s14+$0x0], $0xffff  }
0x16e: {  	s22 =	sadd.s32 $0x200, s22;
	v16 =	vadd.f32 v20, v19;
	v14 =	vadd.f32 v21, v11;
	v11 =	vld.idx.msk [tilespmem:v2+s15+$0x0], $0xffff;
	v2 =	vor.u32 v0, v17  }
0x16f: {  	v4 =	vmul.u32 $0x30, v4;
	v15 =	vor.u32 v0, v15  }
0x170: {  	v12 =	vor.u32 v0, v12  }
0x171: {  	v4 =	vor.u32 v0, v4;
	_ =	sdelay $0x1  }
0x172: {  	v17 =	vld.idx.msk [tilespmem:v2+s11+$0x0], $0xffff  }
0x173: {  	v18 =	vld.idx.msk [tilespmem:v15+s11+$0x0], $0xffff  }
0x174: {  	v6 =	vadd.f32 v6, v13;
	v13 =	vld.idx.msk [tilespmem:v12+s11+$0x0], $0xffff  }
0x175: {  	v9 =	vadd.f32 v9, v16;
	v16 =	vld.idx.msk [tilespmem:v4+s11+$0x0], $0xffff  }
0x176: {  	v10 =	vadd.f32 v10, v14;
	v3 =	vadd.f32 v3, v6;
	v6 =	vld.idx.msk [tilespmem:v4+s14+$0x0], $0xffff  }
0x177: {  	v5 =	vadd.f32 v5, v9;
	v4 =	vld.idx.msk [tilespmem:v4+s15+$0x0], $0xffff  }
0x178: {  	v7 =	vadd.f32 v7, v10;
	v1 =	vadd.f32 v1, v3;
	v3 =	vld.idx.msk [tilespmem:v12+s14+$0x0], $0xffff  }
0x179: {  	v5 =	vadd.f32 v8, v5;
	v8 =	vld.idx.msk [tilespmem:v12+s15+$0x0], $0xffff  }
0x17a: {  	v7 =	vadd.f32 v11, v7;
	v9 =	vld.idx.msk [tilespmem:v15+s14+$0x0], $0xffff;
	v1 =	vadd.f32 v16, v1  }
0x17b: {  	v10 =	vld.idx.msk [tilespmem:v15+s15+$0x0], $0xffff;
	v5 =	vadd.f32 v6, v5  }
0x17c: {  	v6 =	vld.idx.msk [tilespmem:v2+s14+$0x0], $0xffff;
	v4 =	vadd.f32 v4, v7;
	v1 =	vadd.f32 v13, v1  }
0x17d: {  	v2 =	vld.idx.msk [tilespmem:v2+s15+$0x0], $0xffff;
	v3 =	vadd.f32 v3, v5  }
0x17e: {  	v4 =	vadd.f32 v8, v4;
	v1 =	vadd.f32 v18, v1  }
0x17f: {  	v3 =	vadd.f32 v9, v3  }
0x180: {  	v4 =	vadd.f32 v10, v4;
	v1 =	vadd.f32 v17, v1  }
0x181: {  	v3 =	vadd.f32 v6, v3  }
0x182: {  	v2 =	vadd.f32 v2, v4;
	[tilespmem:$0x11FD0] =	vst v1  }
0x183: {  	[tilespmem:$0x12050] =	vst v3  }
0x184: {  	s21 =	simm.s32 $0x160;
	[tilespmem:$0x120D0] =	vst v2  }
0x185: {  	v1 =	vld [tilespmem:s21+$0x80]  }
0x186: {  	v2 =	vld [tilespmem:s21+$0x0]  }
0x187: {  	v3 =	vld [tilespmem:s21+$0xFFFFFF80];
	_ =	sdelay $0x1  }
0x188: {  	v4 =	vld [tilespmem:s21+$0xFFFFFF00]  }
0x189: {  	v1 =	vmul.u32 $0x30, v1  }
0x18a: {  	v2 =	vmul.u32 $0x30, v2  }
0x18b: {  	s31 =	simm.s32 $0x360;
	v3 =	vmul.u32 $0x30, v3;
	v11 =	vor.u32 v0, v1  }
0x18c: {  	v7 =	vld [tilespmem:s31+$0x80];
	v2 =	vor.u32 v0, v2  }
0x18d: {  	v8 =	vld [tilespmem:s31+$0x0];
	v1 =	vmul.u32 $0x30, v4;
	v5 =	vor.u32 v0, v3  }
0x18e: {  	v12 =	vld [tilespmem:s31+$0xFFFFFF80]  }
0x18f: {  	v4 =	vld [tilespmem:s31+$0xFFFFFF00];
	v9 =	vor.u32 v0, v1  }
0x190: {  	v1 =	vld.idx.msk [tilespmem:v11+s11+$0x0], $0xffff  }
0x191: {  	v3 =	vld.idx.msk [tilespmem:v2+s11+$0x0], $0xffff  }
0x192: {  	v6 =	vld.idx.msk [tilespmem:v5+s11+$0x0], $0xffff  }
0x193: {  	v10 =	vld.idx.msk [tilespmem:v5+s15+$0x0], $0xffff  }
0x194: {  	v13 =	vld.idx.msk [tilespmem:v9+s11+$0x0], $0xffff  }
0x195: {  	v14 =	vld.idx.msk [tilespmem:v9+s14+$0x0], $0xffff  }
0x196: {  	v17 =	vld.idx.msk [tilespmem:v9+s15+$0x0], $0xffff  }
0x197: {  	v16 =	vmul.u32 $0x30, v7;
	v7 =	vld.idx.msk [tilespmem:v2+s15+$0x0], $0xffff  }
0x198: {  	v9 =	vld.idx.msk [tilespmem:v5+s14+$0x0], $0xffff  }
0x199: {  	v18 =	vimm.f32 $0.0e+00;
	v15 =	vmul.u32 $0x30, v8;
	v8 =	vld.idx.msk [tilespmem:v11+s14+$0x0], $0xffff  }
0x19a: {  	v12 =	vmul.u32 $0x30, v12;
	v5 =	vld.idx.msk [tilespmem:v2+s14+$0x0], $0xffff;
	v13 =	vadd.f32 v13, v18  }
0x19b: {  	s22 =	simm.s32 $0x560;
	s21 =	simm.s32 $0x4;
	v11 =	vld.idx.msk [tilespmem:v11+s15+$0x0], $0xffff;
	v2 =	vor.u32 v0, v16;
	v16 =	vadd.f32 v14, v18;
	v14 =	vadd.f32 v17, v18  }
.LBB2_14:
0x19c: {  	v17 =	vld [tilespmem:s22+$0x80];
	v4 =	vmul.u32 $0x30, v4;
	v15 =	vor.u32 v0, v15;
	v6 =	vadd.f32 v6, v13  }
0x19d: {  	v12 =	vor.u32 v0, v12;
	v13 =	vld [tilespmem:s22+$0x0];
	v9 =	vadd.f32 v9, v16;
	v10 =	vadd.f32 v10, v14  }
0x19e: {  	v14 =	vld [tilespmem:s22+$0xFFFFFF80];
	v16 =	vor.u32 v0, v4;
	v3 =	vadd.f32 v3, v6  }
0x19f: {  	v4 =	vld [tilespmem:s22+$0xFFFFFF00];
	v5 =	vadd.f32 v5, v9;
	v6 =	vadd.f32 v7, v10  }
0x1a0: {  	v18 =	vadd.f32 v1, v3;
	v1 =	vld.idx.msk [tilespmem:v2+s11+$0x0], $0xffff  }
0x1a1: {  	v3 =	vld.idx.msk [tilespmem:v15+s11+$0x0], $0xffff;
	v19 =	vadd.f32 v8, v5;
	v11 =	vadd.f32 v11, v6  }
0x1a2: {  	v6 =	vld.idx.msk [tilespmem:v12+s11+$0x0], $0xffff  }
0x1a3: {  	v8 =	vld.idx.msk [tilespmem:v16+s11+$0x0], $0xffff  }
0x1a4: {  	v20 =	vld.idx.msk [tilespmem:v16+s14+$0x0], $0xffff  }
0x1a5: {  	s21 =	sadd.s32 $0x4, s21;
	v21 =	vld.idx.msk [tilespmem:v16+s15+$0x0], $0xffff  }
0x1a6: {  	p0 =	slt.u32 s21, $0xC4;
	v9 =	vld.idx.msk [tilespmem:v12+s14+$0x0], $0xffff  }
.Ltmp6:
0x1a7: {  	v10 =	vld.idx.msk [tilespmem:v12+s15+$0x0], $0xffff;
	(pc) =	sbr.rel @p0 .LBB2_14-.Ltmp6, $4  }
0x1a8: {  	v5 =	vld.idx.msk [tilespmem:v15+s14+$0x0], $0xffff  }
0x1a9: {  	v17 =	vmul.u32 $0x30, v17;
	v7 =	vld.idx.msk [tilespmem:v15+s15+$0x0], $0xffff  }
0x1aa: {  	v12 =	vmul.u32 $0x30, v14;
	v15 =	vmul.u32 $0x30, v13;
	v13 =	vadd.f32 v8, v18;
	v8 =	vld.idx.msk [tilespmem:v2+s14+$0x0], $0xffff  }
0x1ab: {  	s22 =	sadd.s32 $0x200, s22;
	v16 =	vadd.f32 v20, v19;
	v14 =	vadd.f32 v21, v11;
	v11 =	vld.idx.msk [tilespmem:v2+s15+$0x0], $0xffff;
	v2 =	vor.u32 v0, v17  }
0x1ac: {  	v4 =	vmul.u32 $0x30, v4;
	v15 =	vor.u32 v0, v15  }
0x1ad: {  	v12 =	vor.u32 v0, v12  }
0x1ae: {  	v4 =	vor.u32 v0, v4;
	_ =	sdelay $0x1  }
0x1af: {  	v17 =	vld.idx.msk [tilespmem:v2+s11+$0x0], $0xffff  }
0x1b0: {  	v18 =	vld.idx.msk [tilespmem:v15+s11+$0x0], $0xffff  }
0x1b1: {  	v6 =	vadd.f32 v6, v13;
	v13 =	vld.idx.msk [tilespmem:v12+s11+$0x0], $0xffff  }
0x1b2: {  	v9 =	vadd.f32 v9, v16;
	v16 =	vld.idx.msk [tilespmem:v4+s11+$0x0], $0xffff  }
0x1b3: {  	v10 =	vadd.f32 v10, v14;
	v3 =	vadd.f32 v3, v6;
	v6 =	vld.idx.msk [tilespmem:v4+s14+$0x0], $0xffff  }
0x1b4: {  	v5 =	vadd.f32 v5, v9;
	v4 =	vld.idx.msk [tilespmem:v4+s15+$0x0], $0xffff  }
0x1b5: {  	v7 =	vadd.f32 v7, v10;
	v1 =	vadd.f32 v1, v3;
	v3 =	vld.idx.msk [tilespmem:v12+s14+$0x0], $0xffff  }
0x1b6: {  	v5 =	vadd.f32 v8, v5;
	v8 =	vld.idx.msk [tilespmem:v12+s15+$0x0], $0xffff  }
0x1b7: {  	v7 =	vadd.f32 v11, v7;
	v9 =	vld.idx.msk [tilespmem:v15+s14+$0x0], $0xffff;
	v1 =	vadd.f32 v16, v1  }
0x1b8: {  	v10 =	vld.idx.msk [tilespmem:v15+s15+$0x0], $0xffff;
	v5 =	vadd.f32 v6, v5  }
0x1b9: {  	v6 =	vld.idx.msk [tilespmem:v2+s14+$0x0], $0xffff;
	v4 =	vadd.f32 v4, v7;
	v1 =	vadd.f32 v13, v1  }
0x1ba: {  	v2 =	vld.idx.msk [tilespmem:v2+s15+$0x0], $0xffff;
	v3 =	vadd.f32 v3, v5  }
0x1bb: {  	v4 =	vadd.f32 v8, v4;
	v1 =	vadd.f32 v18, v1  }
0x1bc: {  	v3 =	vadd.f32 v9, v3  }
0x1bd: {  	v4 =	vadd.f32 v10, v4;
	v1 =	vadd.f32 v17, v1  }
0x1be: {  	v3 =	vadd.f32 v6, v3  }
0x1bf: {  	v2 =	vadd.f32 v2, v4;
	[tilespmem:$0x11FE0] =	vst v1  }
0x1c0: {  	[tilespmem:$0x12060] =	vst v3  }
0x1c1: {  	s21 =	simm.s32 $0x170;
	[tilespmem:$0x120E0] =	vst v2  }
0x1c2: {  	v1 =	vld [tilespmem:s21+$0x80]  }
0x1c3: {  	v2 =	vld [tilespmem:s21+$0x0]  }
0x1c4: {  	v3 =	vld [tilespmem:s21+$0xFFFFFF80];
	_ =	sdelay $0x1  }
0x1c5: {  	v4 =	vld [tilespmem:s21+$0xFFFFFF00]  }
0x1c6: {  	v1 =	vmul.u32 $0x30, v1  }
0x1c7: {  	v2 =	vmul.u32 $0x30, v2  }
0x1c8: {  	s31 =	simm.s32 $0x370;
	v3 =	vmul.u32 $0x30, v3;
	v11 =	vor.u32 v0, v1  }
0x1c9: {  	v7 =	vld [tilespmem:s31+$0x80];
	v2 =	vor.u32 v0, v2  }
0x1ca: {  	v8 =	vld [tilespmem:s31+$0x0];
	v1 =	vmul.u32 $0x30, v4;
	v5 =	vor.u32 v0, v3  }
0x1cb: {  	v12 =	vld [tilespmem:s31+$0xFFFFFF80]  }
0x1cc: {  	v4 =	vld [tilespmem:s31+$0xFFFFFF00];
	v9 =	vor.u32 v0, v1  }
0x1cd: {  	v1 =	vld.idx.msk [tilespmem:v11+s11+$0x0], $0xffff  }
0x1ce: {  	v3 =	vld.idx.msk [tilespmem:v2+s11+$0x0], $0xffff  }
0x1cf: {  	v6 =	vld.idx.msk [tilespmem:v5+s11+$0x0], $0xffff  }
0x1d0: {  	v10 =	vld.idx.msk [tilespmem:v5+s15+$0x0], $0xffff  }
0x1d1: {  	v13 =	vld.idx.msk [tilespmem:v9+s11+$0x0], $0xffff  }
0x1d2: {  	v14 =	vld.idx.msk [tilespmem:v9+s14+$0x0], $0xffff  }
0x1d3: {  	v17 =	vld.idx.msk [tilespmem:v9+s15+$0x0], $0xffff  }
0x1d4: {  	v16 =	vmul.u32 $0x30, v7;
	v7 =	vld.idx.msk [tilespmem:v2+s15+$0x0], $0xffff  }
0x1d5: {  	v9 =	vld.idx.msk [tilespmem:v5+s14+$0x0], $0xffff  }
0x1d6: {  	v18 =	vimm.f32 $0.0e+00;
	v15 =	vmul.u32 $0x30, v8;
	v8 =	vld.idx.msk [tilespmem:v11+s14+$0x0], $0xffff  }
0x1d7: {  	v12 =	vmul.u32 $0x30, v12;
	v5 =	vld.idx.msk [tilespmem:v2+s14+$0x0], $0xffff;
	v13 =	vadd.f32 v13, v18  }
0x1d8: {  	s22 =	simm.s32 $0x570;
	s21 =	simm.s32 $0x4;
	v11 =	vld.idx.msk [tilespmem:v11+s15+$0x0], $0xffff;
	v2 =	vor.u32 v0, v16;
	v16 =	vadd.f32 v14, v18;
	v14 =	vadd.f32 v17, v18  }
.LBB2_16:
0x1d9: {  	v17 =	vld [tilespmem:s22+$0x80];
	v4 =	vmul.u32 $0x30, v4;
	v15 =	vor.u32 v0, v15;
	v6 =	vadd.f32 v6, v13  }
0x1da: {  	v12 =	vor.u32 v0, v12;
	v13 =	vld [tilespmem:s22+$0x0];
	v9 =	vadd.f32 v9, v16;
	v10 =	vadd.f32 v10, v14  }
0x1db: {  	v14 =	vld [tilespmem:s22+$0xFFFFFF80];
	v16 =	vor.u32 v0, v4;
	v3 =	vadd.f32 v3, v6  }
0x1dc: {  	v4 =	vld [tilespmem:s22+$0xFFFFFF00];
	v5 =	vadd.f32 v5, v9;
	v6 =	vadd.f32 v7, v10  }
0x1dd: {  	v18 =	vadd.f32 v1, v3;
	v1 =	vld.idx.msk [tilespmem:v2+s11+$0x0], $0xffff  }
0x1de: {  	v3 =	vld.idx.msk [tilespmem:v15+s11+$0x0], $0xffff;
	v19 =	vadd.f32 v8, v5;
	v11 =	vadd.f32 v11, v6  }
0x1df: {  	v6 =	vld.idx.msk [tilespmem:v12+s11+$0x0], $0xffff  }
0x1e0: {  	v8 =	vld.idx.msk [tilespmem:v16+s11+$0x0], $0xffff  }
0x1e1: {  	v20 =	vld.idx.msk [tilespmem:v16+s14+$0x0], $0xffff  }
0x1e2: {  	s21 =	sadd.s32 $0x4, s21;
	v21 =	vld.idx.msk [tilespmem:v16+s15+$0x0], $0xffff  }
0x1e3: {  	p0 =	slt.u32 s21, $0xC4;
	v9 =	vld.idx.msk [tilespmem:v12+s14+$0x0], $0xffff  }
.Ltmp7:
0x1e4: {  	v10 =	vld.idx.msk [tilespmem:v12+s15+$0x0], $0xffff;
	(pc) =	sbr.rel @p0 .LBB2_16-.Ltmp7, $4  }
0x1e5: {  	v5 =	vld.idx.msk [tilespmem:v15+s14+$0x0], $0xffff  }
0x1e6: {  	v17 =	vmul.u32 $0x30, v17;
	v7 =	vld.idx.msk [tilespmem:v15+s15+$0x0], $0xffff  }
0x1e7: {  	v12 =	vmul.u32 $0x30, v14;
	v15 =	vmul.u32 $0x30, v13;
	v13 =	vadd.f32 v8, v18;
	v8 =	vld.idx.msk [tilespmem:v2+s14+$0x0], $0xffff  }
0x1e8: {  	s22 =	sadd.s32 $0x200, s22;
	v16 =	vadd.f32 v20, v19;
	v14 =	vadd.f32 v21, v11;
	v11 =	vld.idx.msk [tilespmem:v2+s15+$0x0], $0xffff;
	v2 =	vor.u32 v0, v17  }
0x1e9: {  	v4 =	vmul.u32 $0x30, v4;
	v15 =	vor.u32 v0, v15  }
0x1ea: {  	v12 =	vor.u32 v0, v12  }
0x1eb: {  	v4 =	vor.u32 v0, v4;
	_ =	sdelay $0x1  }
0x1ec: {  	v17 =	vld.idx.msk [tilespmem:v2+s11+$0x0], $0xffff  }
0x1ed: {  	v18 =	vld.idx.msk [tilespmem:v15+s11+$0x0], $0xffff  }
0x1ee: {  	v6 =	vadd.f32 v6, v13;
	v57 =	vld.idx.msk [tilespmem:v12+s11+$0x0], $0xffff  }
0x1ef: {  	v9 =	vadd.f32 v9, v16;
	v58 =	vld.idx.msk [tilespmem:v4+s11+$0x0], $0xffff  }
0x1f0: {  	v10 =	vadd.f32 v10, v14;
	v3 =	vadd.f32 v3, v6;
	v59 =	vld.idx.msk [tilespmem:v4+s14+$0x0], $0xffff  }
0x1f1: {  	v5 =	vadd.f32 v5, v9;
	v4 =	vld.idx.msk [tilespmem:v4+s15+$0x0], $0xffff  }
0x1f2: {  	v7 =	vadd.f32 v7, v10;
	v1 =	vadd.f32 v1, v3;
	v3 =	vld.idx.msk [tilespmem:v12+s14+$0x0], $0xffff  }
0x1f3: {  	v5 =	vadd.f32 v8, v5;
	v60 =	vld.idx.msk [tilespmem:v12+s15+$0x0], $0xffff  }
0x1f4: {  	v7 =	vadd.f32 v11, v7;
	v61 =	vld.idx.msk [tilespmem:v15+s14+$0x0], $0xffff;
	v1 =	vadd.f32 v58, v1  }
0x1f5: {  	v62 =	vld.idx.msk [tilespmem:v15+s15+$0x0], $0xffff;
	v5 =	vadd.f32 v59, v5  }
0x1f6: {  	v63 =	vld.idx.msk [tilespmem:v2+s14+$0x0], $0xffff;
	v4 =	vadd.f32 v4, v7;
	v1 =	vadd.f32 v57, v1  }
0x1f7: {  	v2 =	vld.idx.msk [tilespmem:v2+s15+$0x0], $0xffff;
	v3 =	vadd.f32 v3, v5  }
0x1f8: {  	v4 =	vadd.f32 v60, v4;
	v1 =	vadd.f32 v18, v1  }
0x1f9: {  	v3 =	vadd.f32 v61, v3  }
0x1fa: {  	v4 =	vadd.f32 v62, v4;
	v1 =	vadd.f32 v17, v1  }
0x1fb: {  	v3 =	vadd.f32 v63, v3  }
0x1fc: {  	v2 =	vadd.f32 v2, v4;
	[tilespmem:$0x11FF0] =	vst v1  }
0x1fd: {  	[tilespmem:$0x12070] =	vst v3  }
0x1fe: {  	[tilespmem:$0x120F0] =	vst v2  }
0x1ff: {  	[hbm4b:s5+s2] =	stream.linear.scatter [tilespmem:s16], [sflag:$0x3], $0x80, $0x38;
	[tilespmem:$0x12100] =	vst v63  }
0x200: {  	_ =	swait.ge [sflag:s17], $0x80  }
0x201: {  	[sflag:s17] =	ssyncset.done $0x0  }
0x202: {  	[sflag:s17] =	ssyncadd.s32 $0xFFFFFF80  }
0x203: {  	[hbm4b:s6+s2] =	stream.linear.scatter [tilespmem:s18], [sflag:$0x3], $0x80, $0x38;
	[tilespmem:$0x12100] =	vst v63  }
0x204: {  	s20 =	sadd.s32 $0x1, s20;
	_ =	swait.ge [sflag:s17], $0x80  }
0x205: {  	p0 =	sne.s32 s20, s8;
	[sflag:s17] =	ssyncset.done $0x0  }
.Ltmp8:
0x206: {  	[sflag:s17] =	ssyncadd.s32 $0xFFFFFF80;
	(pc) =	sbr.rel @p0 .LBB2_1-.Ltmp8, $4  }
0x207: {  	[hbm4b:s7+s2] =	stream.linear.scatter [tilespmem:s19], [sflag:$0x3], $0x80, $0x38;
	[tilespmem:$0x12100] =	vst v63  }
0x208: {  	_ =	swait.ge [sflag:s17], $0x80  }
0x209: {  	[sflag:s17] =	ssyncset.done $0x0  }
0x20a: {  	[sflag:s17] =	ssyncadd.s32 $0xFFFFFF80  }
0x20b: {  	_ =	sfence.sel $0x180000  }
0x20c: {  	[bflag:$0x0] =	sbarrier.arrive $0xFFFF  }
0x20d: {  	p0 =	sne.s32 s1, $0x0;
	_ =	strace $0x90000047  }
0x20e: {  	s0 =	sadd.s32 @!p0 $0x100000, s0;
	[bflag:$0x2] =	sbarrier.arrive $0xFFFF  }
0x20f: {  	[sflag:s0] =	ssyncadd.tile.s32 @!p0 $0x1;
	_ =	shalt  }
.Lfunc_end2:
_tile_overlayer_lowered:
.L_overlay_start_2:
0x210: {  	(tag) =	ssettag $0x2  }
0x211: {  	s0 =	rddreg [dreg:$0x0];
	s2 =	stileid.u32  }
0x212: {  	s1 =	rddreg [dreg:$0x1];
	p0 =	sne.s32 s2, $0x0  }
0x213: {  	s3 =	rddreg [dreg:$0x2];
	[bflag:$0x3] =	sbarrier.arrive $0xFFFF;
	s2 =	simm.s32 @!p0 $0x1C03  }
0x214: {  	[timem:s3], [sflag:s2] =	dma.local @!p0 [hbm:s0], s1  }
0x215: {  	s0 =	simm.s32 @!p0 $0x3  }
0x216: {  	_ =	swait.ge @!p0 [sflag:s0], s1  }
0x217: {  	s1 =	ssub.s32 @!p0 $0x0, s1;
	[sflag:s0] =	ssyncset.done @!p0 $0x0  }
0x218: {  	[sflag:s0] =	ssyncadd.s32 @!p0 s1  }
0x219: {  	[bflag:$0x3] =	sbarrier.arrive $0xFFFF  }
0x21a: {  	_ =	shalt  }

</sc_bundles>
